<compile_context>
chip_gen: v7x
topology: tpu7x:2x2x1
jax: 0.10.2.dev20260603
libtpu: 0.0.44.dev20260713+nightly
codegen_flags: <defaults>
</compile_context>

<pallas_src>
import functools

import jax
import jax.numpy as jnp
from jax import lax
from jax.experimental import pallas as pl
from jax.experimental.pallas import tpu as pltpu
from jax.experimental.pallas import tpu_sc as plsc

_D = 1024
_DH = _D // 2
_B, _S = 4, 8192
_NTOK = _B * _S
_ROWS = 2 * _NTOK
_NC, _NS = 2, 16
_NW = _NC * _NS
_TPW = _NTOK // _NW
_CT = 8
_NBUF = 8
_D_INFLIGHT = _NBUF // 2
_NITER = _TPW // _CT


def _prep_body(gid_tab, gty_tab, row_tab, col_tab, iw, pw, cw,
               gids, gtys, rpos, cpos, h, i1, i2):
    c = cw[...]
    e = jnp.exp(c - jnp.max(c))
    w = e / jnp.sum(e)
    w0 = w[0, 0]
    w1 = w[0, 1]
    a = w0 * iw[0, 0]
    b = w0 * pw[0, 0]

    def _l2n(x):
        n = jnp.sqrt(jnp.sum(x * x, axis=-1, keepdims=True))
        return x / jnp.maximum(n, 1e-12)

    gin = a * _l2n(gid_tab[...])
    gtn = b * _l2n(gty_tab[...])
    row = w1 * row_tab[...]
    col = w1 * col_tab[...]

    for g in range(10):
        for y in range(2):
            base = (g * 2 + y) * 30
            glo = (gin[g, :_DH] + gtn[y, :_DH])[None, :]
            ghi = (gin[g, _DH:] + gtn[y, _DH:])[None, :]
            h[pl.ds(base, 30)] = glo + row
            h[pl.ds(600 + base, 30)] = ghi + col

    base = (gids[...] * 2 + gtys[...]) * 30
    i1[...] = base + rpos[...]
    i2[...] = 600 + base + cpos[...]


_prep = pl.pallas_call(
    _prep_body,
    out_shape=[
        jax.ShapeDtypeStruct((1200, _DH), jnp.float32),
        jax.ShapeDtypeStruct((_B, _S), jnp.int32),
        jax.ShapeDtypeStruct((_B, _S), jnp.int32),
    ],
)


def _sc_body(h_hbm, idx1_hbm, idx2_hbm, out_hbm, idx1_all, idx2_all, *scr):
    wid = lax.axis_index("s") * _NC + lax.axis_index("c")
    tbase = wid * _TPW

    rows = scr[:_NBUF]
    sg = scr[_NBUF:2 * _NBUF]
    so = scr[2 * _NBUF:]

    brow = wid // (_S // _TPW)
    cbase = (wid % (_S // _TPW)) * _TPW
    pltpu.sync_copy(idx1_hbm.at[brow, pl.ds(cbase, _TPW)], idx1_all)
    pltpu.sync_copy(idx2_hbm.at[brow, pl.ds(cbase, _TPW)], idx2_all)

    def _g1(i, buf):
        return (h_hbm.at[idx1_all.at[pl.ds(i * _CT, _CT)]],
                buf.at[:, pl.ds(0, _DH)])

    def _g2(i, buf):
        return (h_hbm.at[idx2_all.at[pl.ds(i * _CT, _CT)]],
                buf.at[:, pl.ds(_DH, _DH)])

    def _dst(i):
        tok = pl.multiple_of(tbase + i * _CT, 8)
        return out_hbm.at[pl.ds(tok, _CT)]

    def _gstart(i, b):
        pltpu.async_copy(*_g1(i, rows[b]), sg[b])
        pltpu.async_copy(*_g2(i, rows[b]), sg[b])

    def _gwait(i, b):
        pltpu.make_async_copy(*_g1(i, rows[b]), sg[b]).wait()
        pltpu.make_async_copy(*_g2(i, rows[b]), sg[b]).wait()

    def _wstart(i, b):
        pltpu.async_copy(rows[b], _dst(i), so[b])

    def _wwait(i, b):
        pltpu.make_async_copy(rows[b], _dst(i), so[b]).wait()

    dd = _D_INFLIGHT
    nj = _NITER // _NBUF
    for b in range(dd):
        _gstart(b, b)

    def step(j, carry):
        for k in range(_NBUF):
            i = _NBUF * j + k
            _gwait(i, k)
            _wstart(i, k)
            bn = (k + dd) % _NBUF
            if k < _NBUF - dd:
                @pl.when(j > 0)
                def _():
                    _wwait(i - (_NBUF - dd), bn)
                _gstart(i + dd, bn)
            else:
                _wwait(i - (_NBUF - dd), bn)

                @pl.when(j < nj - 1)
                def _():
                    _gstart(i + dd, bn)
        return carry

    lax.fori_loop(0, nj, step, 0)
    for c in range(_NITER - dd, _NITER):
        _wwait(c, c % _NBUF)


@functools.cache
def _sc_gather():
    return pl.kernel(
        _sc_body,
        out_type=jax.ShapeDtypeStruct((_NTOK, _D), jnp.float32),
        mesh=plsc.VectorSubcoreMesh(core_axis_name="c", subcore_axis_name="s",
                                    num_cores=_NC, num_subcores=_NS),
        scratch_types=(
            [pltpu.VMEM((_TPW,), jnp.int32)] * 2
            + [pltpu.VMEM((_CT, _D), jnp.float32)] * _NBUF
            + [pltpu.SemaphoreType.DMA] * (2 * _NBUF)
        ),
    )


def kernel(grid_ids, grid_types, row_positions, col_positions,
           grid_id_table, grid_type_table, row_table, col_table,
           input_weight, position_weight, combine_weights):
    gids = grid_ids.astype(jnp.int32)
    gtys = grid_types.astype(jnp.int32)
    rpos = row_positions.astype(jnp.int32)
    cpos = col_positions.astype(jnp.int32)

    htab, i1, i2 = _prep(
        grid_id_table, grid_type_table, row_table, col_table,
        input_weight.reshape(1, 1), position_weight.reshape(1, 1),
        combine_weights.reshape(1, 4), gids, gtys, rpos, cpos)

    out = _sc_gather()(htab, i1, i2)
    return out.reshape(_B, _S, _D)

# --- scband reference (transcript-rebuilt; emitter-appended) ---
"""Pipeline reference for scband-hierarchical-position-encoding-81793357185238 (READ-ONLY COPY).

The authoritative reference and input builder live on the scoring server;
editing this copy changes nothing except your own understanding.
"""

import jax, jax.numpy as jnp
import numpy as np

D_MODEL = 1024
MAX_GRIDS = 10
MAX_GRID_TYPES = 2
MAX_ROWS = 30
MAX_COLS = 30
B, S = 4, 8192


def _sinusoid_table(dim, max_positions):
    inv_freq = 1.0 / (10000.0 ** (np.arange(0, dim, 2).astype(np.float32) / dim))
    t = np.arange(max_positions).astype(np.float32)
    sinusoid_inp = np.einsum('i,j->ij', t, inv_freq)
    emb = np.concatenate([np.sin(sinusoid_inp), np.cos(sinusoid_inp)], axis=-1)
    if dim % 2 == 1:
        emb = np.concatenate([emb, np.zeros((max_positions, 1), dtype=np.float32)], axis=-1)
    return jnp.asarray(emb, dtype=jnp.float32)


def setup_inputs(seed: int = 0) -> dict:
    key = jax.random.key(seed)
    k1, k2, k3, k4, k5, k6 = jax.random.split(key, 6)
    grid_ids = jax.random.randint(k1, (B, S), 0, MAX_GRIDS, dtype=jnp.int64 if jax.config.read('jax_enable_x64') else jnp.int32)
    grid_types = jax.random.randint(k2, (B, S), 0, MAX_GRID_TYPES)
    row_positions = jax.random.randint(k3, (B, S), 0, MAX_ROWS)
    col_positions = jax.random.randint(k4, (B, S), 0, MAX_COLS)
    # xavier_normal for embedding tables: std = sqrt(2/(fan_in+fan_out))
    std_gid = float(np.sqrt(2.0 / (MAX_GRIDS + D_MODEL)))
    std_gty = float(np.sqrt(2.0 / (MAX_GRID_TYPES + D_MODEL)))
    grid_id_table = jax.random.normal(k5, (MAX_GRIDS, D_MODEL), dtype=jnp.float32) * std_gid
    grid_type_table = jax.random.normal(k6, (MAX_GRID_TYPES, D_MODEL), dtype=jnp.float32) * std_gty
    row_table = _sinusoid_table(D_MODEL // 2, MAX_ROWS)
    col_table = _sinusoid_table(D_MODEL // 2, MAX_COLS)
    input_weight = jnp.ones((1,), dtype=jnp.float32)
    position_weight = jnp.ones((1,), dtype=jnp.float32)
    combine_weights = jnp.ones((4,), dtype=jnp.float32) / 4.0
    return {
        'grid_ids': grid_ids,
        'grid_types': grid_types,
        'row_positions': row_positions,
        'col_positions': col_positions,
        'grid_id_table': grid_id_table,
        'grid_type_table': grid_type_table,
        'row_table': row_table,
        'col_table': col_table,
        'input_weight': input_weight,
        'position_weight': position_weight,
        'combine_weights': combine_weights,
    }


def _l2_normalize(x, eps=1e-12):
    n = jnp.sqrt(jnp.sum(x * x, axis=-1, keepdims=True))
    return x / jnp.maximum(n, eps)


def reference(grid_ids, grid_types, row_positions, col_positions,
              grid_id_table, grid_type_table, row_table, col_table,
              input_weight, position_weight, combine_weights):
    grid_id_embeddings = jnp.take(grid_id_table, grid_ids, axis=0)
    grid_type_embeddings = jnp.take(grid_type_table, grid_types, axis=0)
    row_embeddings = jnp.take(row_table, row_positions, axis=0)
    col_embeddings = jnp.take(col_table, col_positions, axis=0)
    # use_2d_sinusoidal=True path
    pos_embeddings = jnp.concatenate([row_embeddings, col_embeddings], axis=-1)
    # grid_mixer with strategy 'weighted_sum'
    gi_norm = _l2_normalize(grid_id_embeddings)
    gt_norm = _l2_normalize(grid_type_embeddings)
    grid_embeddings = input_weight * gi_norm + position_weight * gt_norm
    norm_weights = jax.nn.softmax(combine_weights, axis=0)
    position_encodings = norm_weights[0] * grid_embeddings + norm_weights[1] * pos_embeddings
    return position_encodings

if __name__ == "__main__":
    import jax
    _d = setup_inputs()
    print(jax.jit(kernel)(*tuple(_d.values())))

</pallas_src>

<mosaic_0001>
#map = affine_map<(d0, d1) -> (0, 0)>
module attributes {stable_mosaic.version = 14 : i64} {
  func.func @_sc_body(%arg0: i32, %arg1: i32, %arg2: memref<1200x512xf32, #tpu.memory_space<hbm>>, %arg3: memref<4x8192xi32, #tpu.memory_space<hbm>>, %arg4: memref<4x8192xi32, #tpu.memory_space<hbm>>, %arg5: memref<32768x1024xf32, #tpu.memory_space<hbm>>, %arg6: memref<1024xi32, #tpu.memory_space<vmem>>, %arg7: memref<1024xi32, #tpu.memory_space<vmem>>, %arg8: memref<8x1024xf32, #tpu.memory_space<vmem>>, %arg9: memref<8x1024xf32, #tpu.memory_space<vmem>>, %arg10: memref<8x1024xf32, #tpu.memory_space<vmem>>, %arg11: memref<8x1024xf32, #tpu.memory_space<vmem>>, %arg12: memref<8x1024xf32, #tpu.memory_space<vmem>>, %arg13: memref<8x1024xf32, #tpu.memory_space<vmem>>, %arg14: memref<8x1024xf32, #tpu.memory_space<vmem>>, %arg15: memref<8x1024xf32, #tpu.memory_space<vmem>>, %arg16: memref<!tpu.dma_semaphore, #tpu.memory_space<semaphore_mem>>, %arg17: memref<!tpu.dma_semaphore, #tpu.memory_space<semaphore_mem>>, %arg18: memref<!tpu.dma_semaphore, #tpu.memory_space<semaphore_mem>>, %arg19: memref<!tpu.dma_semaphore, #tpu.memory_space<semaphore_mem>>, %arg20: memref<!tpu.dma_semaphore, #tpu.memory_space<semaphore_mem>>, %arg21: memref<!tpu.dma_semaphore, #tpu.memory_space<semaphore_mem>>, %arg22: memref<!tpu.dma_semaphore, #tpu.memory_space<semaphore_mem>>, %arg23: memref<!tpu.dma_semaphore, #tpu.memory_space<semaphore_mem>>, %arg24: memref<!tpu.dma_semaphore, #tpu.memory_space<semaphore_mem>>, %arg25: memref<!tpu.dma_semaphore, #tpu.memory_space<semaphore_mem>>, %arg26: memref<!tpu.dma_semaphore, #tpu.memory_space<semaphore_mem>>, %arg27: memref<!tpu.dma_semaphore, #tpu.memory_space<semaphore_mem>>, %arg28: memref<!tpu.dma_semaphore, #tpu.memory_space<semaphore_mem>>, %arg29: memref<!tpu.dma_semaphore, #tpu.memory_space<semaphore_mem>>, %arg30: memref<!tpu.dma_semaphore, #tpu.memory_space<semaphore_mem>>, %arg31: memref<!tpu.dma_semaphore, #tpu.memory_space<semaphore_mem>>) attributes {dimension_semantics = [#tpu.dimension_semantics<core_parallel>, #tpu.dimension_semantics<subcore_parallel>], iteration_bounds = array<i64: 2, 16>, scalar_prefetch = 0 : i64, scratch_operands = 26 : i64, tpu.core_type = #tpu.core_type<sc_vector_subcore>, window_params = [{transform_indices = #map}, {transform_indices = #map}, {transform_indices = #map}, {transform_indices = #map}]} {
    %mul3A = arith.constant 2 : i32
    %mul3A_0 = arith.muli %arg1, %mul3A : i32
    %add3A = arith.addi %mul3A_0, %arg0 : i32
    %mul3A_1 = arith.constant 1024 : i32
    %mul3A_2 = arith.muli %add3A, %mul3A_1 : i32
    %jit3A = arith.constant 8 : i32
    %div3A = arith.divsi %add3A, %jit3A : i32
    %sign3A = arith.constant 0 : i32
    %sign3A_3 = arith.cmpi sgt, %add3A, %sign3A : i32
    %sign3A_4 = arith.extui %sign3A_3 : i1 to i32
    %sign3A_5 = arith.constant 0 : i32
    %sign3A_6 = arith.cmpi slt, %add3A, %sign3A_5 : i32
    %sign3A_7 = arith.extui %sign3A_6 : i1 to i32
    %sign3A_8 = arith.subi %sign3A_4, %sign3A_7 : i32
    %sign3A_9 = arith.constant 0 : i32
    %sign3A_10 = arith.cmpi sgt, %jit3A, %sign3A_9 : i32
    %sign3A_11 = arith.extui %sign3A_10 : i1 to i32
    %sign3A_12 = arith.constant 0 : i32
    %sign3A_13 = arith.cmpi slt, %jit3A, %sign3A_12 : i32
    %sign3A_14 = arith.extui %sign3A_13 : i1 to i32
    %sign3A_15 = arith.subi %sign3A_11, %sign3A_14 : i32
    %ne3A = arith.cmpi ne, %sign3A_8, %sign3A_15 : i32
    %rem3A = arith.remsi %add3A, %jit3A : i32
    %ne3A_16 = arith.constant 0 : i32
    %ne3A_17 = arith.cmpi ne, %rem3A, %ne3A_16 : i32
    %and3A = arith.andi %ne3A, %ne3A_17 : i1
    %sub3A = arith.constant 1 : i32
    %sub3A_18 = arith.subi %div3A, %sub3A : i32
    %select_n3A = arith.select %and3A, %sub3A_18, %div3A : i32
    %jit3A_19 = arith.constant 8 : i32
    %eq3A = arith.constant 0 : i32
    %eq3A_20 = arith.cmpi eq, %jit3A_19, %eq3A : i32
    %jit3A_21 = arith.constant 1 : i32
    %select_n3A_22 = arith.select %eq3A_20, %jit3A_21, %jit3A_19 : i32
    %rem3A_23 = arith.remsi %add3A, %select_n3A_22 : i32
    %ne3A_24 = arith.constant 0 : i32
    %ne3A_25 = arith.cmpi ne, %rem3A_23, %ne3A_24 : i32
    %lt3A = arith.constant 0 : i32
    %lt3A_26 = arith.cmpi slt, %rem3A_23, %lt3A : i32
    %lt3A_27 = arith.constant 0 : i32
    %lt3A_28 = arith.cmpi slt, %select_n3A_22, %lt3A_27 : i32
    %ne3A_29 = arith.xori %lt3A_26, %lt3A_28 : i1
    %and3A_30 = arith.andi %ne3A_29, %ne3A_25 : i1
    %add3A_31 = arith.addi %rem3A_23, %select_n3A_22 : i32
    %select_n3A_32 = arith.select %and3A_30, %add3A_31, %rem3A_23 : i32
    %mul3A_33 = arith.constant 1024 : i32
    %mul3A_34 = arith.muli %select_n3A_32, %mul3A_33 : i32
    "tpu.region"() ({
      %run_scoped3A = tpu.sem_alloc : memref<!tpu.dma_semaphore, #tpu.memory_space<semaphore_mem>>
      %dma_start3A_129 = tpu.memref_slice %arg3[%select_n3A, %mul3A_34] : memref<4x8192xi32, #tpu.memory_space<hbm>> -> memref<1x1024xi32, #tpu.memory_space<hbm>>
      %dma_start3A_130 = tpu.memref_squeeze %dma_start3A_129 : memref<1x1024xi32, #tpu.memory_space<hbm>> -> memref<1024xi32, #tpu.memory_space<hbm>>
      %dma_start3A_131 = tpu.memref_slice %arg3[%select_n3A, %mul3A_34] : memref<4x8192xi32, #tpu.memory_space<hbm>> -> memref<1x1024xi32, #tpu.memory_space<hbm>>
      %dma_start3A_132 = tpu.memref_squeeze %dma_start3A_131 : memref<1x1024xi32, #tpu.memory_space<hbm>> -> memref<1024xi32, #tpu.memory_space<hbm>>
      tpu.enqueue_dma source(%dma_start3A_132 : memref<1024xi32, #tpu.memory_space<hbm>>) target(%arg6 : memref<1024xi32, #tpu.memory_space<vmem>>) target_semaphore(%run_scoped3A : memref<!tpu.dma_semaphore, #tpu.memory_space<semaphore_mem>>)
      %dma_wait3A_133 = tpu.memref_slice %arg3[%select_n3A, %mul3A_34] : memref<4x8192xi32, #tpu.memory_space<hbm>> -> memref<1x1024xi32, #tpu.memory_space<hbm>>
      %dma_wait3A_134 = tpu.memref_squeeze %dma_wait3A_133 : memref<1x1024xi32, #tpu.memory_space<hbm>> -> memref<1024xi32, #tpu.memory_space<hbm>>
      %dma_wait3A_135 = tpu.memref_slice %arg3[%select_n3A, %mul3A_34] : memref<4x8192xi32, #tpu.memory_space<hbm>> -> memref<1x1024xi32, #tpu.memory_space<hbm>>
      %dma_wait3A_136 = tpu.memref_squeeze %dma_wait3A_135 : memref<1x1024xi32, #tpu.memory_space<hbm>> -> memref<1024xi32, #tpu.memory_space<hbm>>
      tpu.wait_dma2 semaphore(%run_scoped3A : memref<!tpu.dma_semaphore, #tpu.memory_space<semaphore_mem>>) src(%dma_wait3A_136 : memref<1024xi32, #tpu.memory_space<hbm>>) dst(%arg6 : memref<1024xi32, #tpu.memory_space<vmem>>)
      tpu.yield
    }) : () -> ()
    "tpu.region"() ({
      %run_scoped3A = tpu.sem_alloc : memref<!tpu.dma_semaphore, #tpu.memory_space<semaphore_mem>>
      %dma_start3A_129 = tpu.memref_slice %arg4[%select_n3A, %mul3A_34] : memref<4x8192xi32, #tpu.memory_space<hbm>> -> memref<1x1024xi32, #tpu.memory_space<hbm>>
      %dma_start3A_130 = tpu.memref_squeeze %dma_start3A_129 : memref<1x1024xi32, #tpu.memory_space<hbm>> -> memref<1024xi32, #tpu.memory_space<hbm>>
      %dma_start3A_131 = tpu.memref_slice %arg4[%select_n3A, %mul3A_34] : memref<4x8192xi32, #tpu.memory_space<hbm>> -> memref<1x1024xi32, #tpu.memory_space<hbm>>
      %dma_start3A_132 = tpu.memref_squeeze %dma_start3A_131 : memref<1x1024xi32, #tpu.memory_space<hbm>> -> memref<1024xi32, #tpu.memory_space<hbm>>
      tpu.enqueue_dma source(%dma_start3A_132 : memref<1024xi32, #tpu.memory_space<hbm>>) target(%arg7 : memref<1024xi32, #tpu.memory_space<vmem>>) target_semaphore(%run_scoped3A : memref<!tpu.dma_semaphore, #tpu.memory_space<semaphore_mem>>)
      %dma_wait3A_133 = tpu.memref_slice %arg4[%select_n3A, %mul3A_34] : memref<4x8192xi32, #tpu.memory_space<hbm>> -> memref<1x1024xi32, #tpu.memory_space<hbm>>
      %dma_wait3A_134 = tpu.memref_squeeze %dma_wait3A_133 : memref<1x1024xi32, #tpu.memory_space<hbm>> -> memref<1024xi32, #tpu.memory_space<hbm>>
      %dma_wait3A_135 = tpu.memref_slice %arg4[%select_n3A, %mul3A_34] : memref<4x8192xi32, #tpu.memory_space<hbm>> -> memref<1x1024xi32, #tpu.memory_space<hbm>>
      %dma_wait3A_136 = tpu.memref_squeeze %dma_wait3A_135 : memref<1x1024xi32, #tpu.memory_space<hbm>> -> memref<1024xi32, #tpu.memory_space<hbm>>
      tpu.wait_dma2 semaphore(%run_scoped3A : memref<!tpu.dma_semaphore, #tpu.memory_space<semaphore_mem>>) src(%dma_wait3A_136 : memref<1024xi32, #tpu.memory_space<hbm>>) dst(%arg7 : memref<1024xi32, #tpu.memory_space<vmem>>)
      tpu.yield
    }) : () -> ()
    %dma_start3A = arith.constant 0 : i32
    %dma_start3A_35 = arith.constant 0 : i32
    %dma_start3A_36 = tpu.memref_slice %arg8[%dma_start3A, %dma_start3A_35] : memref<8x1024xf32, #tpu.memory_space<vmem>> -> memref<8x512xf32, #tpu.memory_space<vmem>>
    %dma_start3A_37 = arith.constant 0 : i32
    %dma_start3A_38 = tpu.memref_slice %arg6[%dma_start3A_37] : memref<1024xi32, #tpu.memory_space<vmem>> -> memref<8xi32, #tpu.memory_space<vmem>>
    %dma_start3A_39 = arith.constant 0 : i32
    %dma_start3A_40 = arith.constant 0 : i32
    %dma_start3A_41 = tpu.memref_slice %arg2[%dma_start3A_39, %dma_start3A_40] : memref<1200x512xf32, #tpu.memory_space<hbm>> -> memref<1200x512xf32, #tpu.memory_space<hbm>>
    tpu.enqueue_indirect_dma source(%dma_start3A_41 : memref<1200x512xf32, #tpu.memory_space<hbm>>) target(%dma_start3A_36 : memref<8x512xf32, #tpu.memory_space<vmem>>) offsets(%dma_start3A_38 : memref<8xi32, #tpu.memory_space<vmem>>) semaphore(%arg16 : memref<!tpu.dma_semaphore, #tpu.memory_space<semaphore_mem>>)
    %dma_start3A_42 = arith.constant 0 : i32
    %dma_start3A_43 = arith.constant 512 : i32
    %dma_start3A_44 = tpu.memref_slice %arg8[%dma_start3A_42, %dma_start3A_43] : memref<8x1024xf32, #tpu.memory_space<vmem>> -> memref<8x512xf32, #tpu.memory_space<vmem>>
    %dma_start3A_45 = arith.constant 0 : i32
    %dma_start3A_46 = tpu.memref_slice %arg7[%dma_start3A_45] : memref<1024xi32, #tpu.memory_space<vmem>> -> memref<8xi32, #tpu.memory_space<vmem>>
    %dma_start3A_47 = arith.constant 0 : i32
    %dma_start3A_48 = arith.constant 0 : i32
    %dma_start3A_49 = tpu.memref_slice %arg2[%dma_start3A_47, %dma_start3A_48] : memref<1200x512xf32, #tpu.memory_space<hbm>> -> memref<1200x512xf32, #tpu.memory_space<hbm>>
    tpu.enqueue_indirect_dma source(%dma_start3A_49 : memref<1200x512xf32, #tpu.memory_space<hbm>>) target(%dma_start3A_44 : memref<8x512xf32, #tpu.memory_space<vmem>>) offsets(%dma_start3A_46 : memref<8xi32, #tpu.memory_space<vmem>>) semaphore(%arg16 : memref<!tpu.dma_semaphore, #tpu.memory_space<semaphore_mem>>)
    %dma_start3A_50 = arith.constant 0 : i32
    %dma_start3A_51 = arith.constant 0 : i32
    %dma_start3A_52 = tpu.memref_slice %arg9[%dma_start3A_50, %dma_start3A_51] : memref<8x1024xf32, #tpu.memory_space<vmem>> -> memref<8x512xf32, #tpu.memory_space<vmem>>
    %dma_start3A_53 = arith.constant 8 : i32
    %dma_start3A_54 = tpu.memref_slice %arg6[%dma_start3A_53] : memref<1024xi32, #tpu.memory_space<vmem>> -> memref<8xi32, #tpu.memory_space<vmem>>
    %dma_start3A_55 = arith.constant 0 : i32
    %dma_start3A_56 = arith.constant 0 : i32
    %dma_start3A_57 = tpu.memref_slice %arg2[%dma_start3A_55, %dma_start3A_56] : memref<1200x512xf32, #tpu.memory_space<hbm>> -> memref<1200x512xf32, #tpu.memory_space<hbm>>
    tpu.enqueue_indirect_dma source(%dma_start3A_57 : memref<1200x512xf32, #tpu.memory_space<hbm>>) target(%dma_start3A_52 : memref<8x512xf32, #tpu.memory_space<vmem>>) offsets(%dma_start3A_54 : memref<8xi32, #tpu.memory_space<vmem>>) semaphore(%arg17 : memref<!tpu.dma_semaphore, #tpu.memory_space<semaphore_mem>>)
    %dma_start3A_58 = arith.constant 0 : i32
    %dma_start3A_59 = arith.constant 512 : i32
    %dma_start3A_60 = tpu.memref_slice %arg9[%dma_start3A_58, %dma_start3A_59] : memref<8x1024xf32, #tpu.memory_space<vmem>> -> memref<8x512xf32, #tpu.memory_space<vmem>>
    %dma_start3A_61 = arith.constant 8 : i32
    %dma_start3A_62 = tpu.memref_slice %arg7[%dma_start3A_61] : memref<1024xi32, #tpu.memory_space<vmem>> -> memref<8xi32, #tpu.memory_space<vmem>>
    %dma_start3A_63 = arith.constant 0 : i32
    %dma_start3A_64 = arith.constant 0 : i32
    %dma_start3A_65 = tpu.memref_slice %arg2[%dma_start3A_63, %dma_start3A_64] : memref<1200x512xf32, #tpu.memory_space<hbm>> -> memref<1200x512xf32, #tpu.memory_space<hbm>>
    tpu.enqueue_indirect_dma source(%dma_start3A_65 : memref<1200x512xf32, #tpu.memory_space<hbm>>) target(%dma_start3A_60 : memref<8x512xf32, #tpu.memory_space<vmem>>) offsets(%dma_start3A_62 : memref<8xi32, #tpu.memory_space<vmem>>) semaphore(%arg17 : memref<!tpu.dma_semaphore, #tpu.memory_space<semaphore_mem>>)
    %dma_start3A_66 = arith.constant 0 : i32
    %dma_start3A_67 = arith.constant 0 : i32
    %dma_start3A_68 = tpu.memref_slice %arg10[%dma_start3A_66, %dma_start3A_67] : memref<8x1024xf32, #tpu.memory_space<vmem>> -> memref<8x512xf32, #tpu.memory_space<vmem>>
    %dma_start3A_69 = arith.constant 16 : i32
    %dma_start3A_70 = tpu.memref_slice %arg6[%dma_start3A_69] : memref<1024xi32, #tpu.memory_space<vmem>> -> memref<8xi32, #tpu.memory_space<vmem>>
    %dma_start3A_71 = arith.constant 0 : i32
    %dma_start3A_72 = arith.constant 0 : i32
    %dma_start3A_73 = tpu.memref_slice %arg2[%dma_start3A_71, %dma_start3A_72] : memref<1200x512xf32, #tpu.memory_space<hbm>> -> memref<1200x512xf32, #tpu.memory_space<hbm>>
    tpu.enqueue_indirect_dma source(%dma_start3A_73 : memref<1200x512xf32, #tpu.memory_space<hbm>>) target(%dma_start3A_68 : memref<8x512xf32, #tpu.memory_space<vmem>>) offsets(%dma_start3A_70 : memref<8xi32, #tpu.memory_space<vmem>>) semaphore(%arg18 : memref<!tpu.dma_semaphore, #tpu.memory_space<semaphore_mem>>)
    %dma_start3A_74 = arith.constant 0 : i32
    %dma_start3A_75 = arith.constant 512 : i32
    %dma_start3A_76 = tpu.memref_slice %arg10[%dma_start3A_74, %dma_start3A_75] : memref<8x1024xf32, #tpu.memory_space<vmem>> -> memref<8x512xf32, #tpu.memory_space<vmem>>
    %dma_start3A_77 = arith.constant 16 : i32
    %dma_start3A_78 = tpu.memref_slice %arg7[%dma_start3A_77] : memref<1024xi32, #tpu.memory_space<vmem>> -> memref<8xi32, #tpu.memory_space<vmem>>
    %dma_start3A_79 = arith.constant 0 : i32
    %dma_start3A_80 = arith.constant 0 : i32
    %dma_start3A_81 = tpu.memref_slice %arg2[%dma_start3A_79, %dma_start3A_80] : memref<1200x512xf32, #tpu.memory_space<hbm>> -> memref<1200x512xf32, #tpu.memory_space<hbm>>
    tpu.enqueue_indirect_dma source(%dma_start3A_81 : memref<1200x512xf32, #tpu.memory_space<hbm>>) target(%dma_start3A_76 : memref<8x512xf32, #tpu.memory_space<vmem>>) offsets(%dma_start3A_78 : memref<8xi32, #tpu.memory_space<vmem>>) semaphore(%arg18 : memref<!tpu.dma_semaphore, #tpu.memory_space<semaphore_mem>>)
    %dma_start3A_82 = arith.constant 0 : i32
    %dma_start3A_83 = arith.constant 0 : i32
    %dma_start3A_84 = tpu.memref_slice %arg11[%dma_start3A_82, %dma_start3A_83] : memref<8x1024xf32, #tpu.memory_space<vmem>> -> memref<8x512xf32, #tpu.memory_space<vmem>>
    %dma_start3A_85 = arith.constant 24 : i32
    %dma_start3A_86 = tpu.memref_slice %arg6[%dma_start3A_85] : memref<1024xi32, #tpu.memory_space<vmem>> -> memref<8xi32, #tpu.memory_space<vmem>>
    %dma_start3A_87 = arith.constant 0 : i32
    %dma_start3A_88 = arith.constant 0 : i32
    %dma_start3A_89 = tpu.memref_slice %arg2[%dma_start3A_87, %dma_start3A_88] : memref<1200x512xf32, #tpu.memory_space<hbm>> -> memref<1200x512xf32, #tpu.memory_space<hbm>>
    tpu.enqueue_indirect_dma source(%dma_start3A_89 : memref<1200x512xf32, #tpu.memory_space<hbm>>) target(%dma_start3A_84 : memref<8x512xf32, #tpu.memory_space<vmem>>) offsets(%dma_start3A_86 : memref<8xi32, #tpu.memory_space<vmem>>) semaphore(%arg19 : memref<!tpu.dma_semaphore, #tpu.memory_space<semaphore_mem>>)
    %dma_start3A_90 = arith.constant 0 : i32
    %dma_start3A_91 = arith.constant 512 : i32
    %dma_start3A_92 = tpu.memref_slice %arg11[%dma_start3A_90, %dma_start3A_91] : memref<8x1024xf32, #tpu.memory_space<vmem>> -> memref<8x512xf32, #tpu.memory_space<vmem>>
    %dma_start3A_93 = arith.constant 24 : i32
    %dma_start3A_94 = tpu.memref_slice %arg7[%dma_start3A_93] : memref<1024xi32, #tpu.memory_space<vmem>> -> memref<8xi32, #tpu.memory_space<vmem>>
    %dma_start3A_95 = arith.constant 0 : i32
    %dma_start3A_96 = arith.constant 0 : i32
    %dma_start3A_97 = tpu.memref_slice %arg2[%dma_start3A_95, %dma_start3A_96] : memref<1200x512xf32, #tpu.memory_space<hbm>> -> memref<1200x512xf32, #tpu.memory_space<hbm>>
    tpu.enqueue_indirect_dma source(%dma_start3A_97 : memref<1200x512xf32, #tpu.memory_space<hbm>>) target(%dma_start3A_92 : memref<8x512xf32, #tpu.memory_space<vmem>>) offsets(%dma_start3A_94 : memref<8xi32, #tpu.memory_space<vmem>>) semaphore(%arg19 : memref<!tpu.dma_semaphore, #tpu.memory_space<semaphore_mem>>)
    %scan3A = arith.constant 0 : i32
    %scan3A_98 = arith.constant 0 : i32
    %scan3A_99 = arith.constant 16 : i32
    %scan3A_100 = arith.addi %scan3A_98, %scan3A_99 : i32
    %scan3A_101 = arith.constant 1 : i32
    scf.for %scan3A_129 = %scan3A_98 to %scan3A_100 step %scan3A_101  : i32 {
      %mul3A_130 = arith.constant 8 : i32
      %mul3A_131 = arith.muli %mul3A_130, %scan3A_129 : i32
      %add3A_132 = arith.constant 0 : i32
      %add3A_133 = arith.addi %mul3A_131, %add3A_132 : i32
      %mul3A_134 = arith.constant 8 : i32
      %mul3A_135 = arith.muli %add3A_133, %mul3A_134 : i32
      %dma_wait3A_136 = arith.constant 0 : i32
      %dma_wait3A_137 = arith.constant 0 : i32
      %dma_wait3A_138 = tpu.memref_slice %arg8[%dma_wait3A_136, %dma_wait3A_137] : memref<8x1024xf32, #tpu.memory_space<vmem>> -> memref<8x512xf32, #tpu.memory_space<vmem>>
      %dma_wait3A_139 = tpu.memref_slice %arg6[%mul3A_135] : memref<1024xi32, #tpu.memory_space<vmem>> -> memref<8xi32, #tpu.memory_space<vmem>>
      %dma_wait3A_140 = arith.constant 0 : i32
      %dma_wait3A_141 = arith.constant 0 : i32
      %dma_wait3A_142 = tpu.memref_slice %arg2[%dma_wait3A_140, %dma_wait3A_141] : memref<1200x512xf32, #tpu.memory_space<hbm>> -> memref<1200x512xf32, #tpu.memory_space<hbm>>
      tpu.wait_indirect_dma semaphore(%arg16 : memref<!tpu.dma_semaphore, #tpu.memory_space<semaphore_mem>>) src(%dma_wait3A_142 : memref<1200x512xf32, #tpu.memory_space<hbm>>) dst(%dma_wait3A_138 : memref<8x512xf32, #tpu.memory_space<vmem>>)
      %mul3A_143 = arith.constant 8 : i32
      %mul3A_144 = arith.muli %add3A_133, %mul3A_143 : i32
      %dma_wait3A_145 = arith.constant 0 : i32
      %dma_wait3A_146 = arith.constant 512 : i32
      %dma_wait3A_147 = tpu.memref_slice %arg8[%dma_wait3A_145, %dma_wait3A_146] : memref<8x1024xf32, #tpu.memory_space<vmem>> -> memref<8x512xf32, #tpu.memory_space<vmem>>
      %dma_wait3A_148 = tpu.memref_slice %arg7[%mul3A_144] : memref<1024xi32, #tpu.memory_space<vmem>> -> memref<8xi32, #tpu.memory_space<vmem>>
      %dma_wait3A_149 = arith.constant 0 : i32
      %dma_wait3A_150 = arith.constant 0 : i32
      %dma_wait3A_151 = tpu.memref_slice %arg2[%dma_wait3A_149, %dma_wait3A_150] : memref<1200x512xf32, #tpu.memory_space<hbm>> -> memref<1200x512xf32, #tpu.memory_space<hbm>>
      tpu.wait_indirect_dma semaphore(%arg16 : memref<!tpu.dma_semaphore, #tpu.memory_space<semaphore_mem>>) src(%dma_wait3A_151 : memref<1200x512xf32, #tpu.memory_space<hbm>>) dst(%dma_wait3A_147 : memref<8x512xf32, #tpu.memory_space<vmem>>)
      %mul3A_152 = arith.constant 8 : i32
      %mul3A_153 = arith.muli %add3A_133, %mul3A_152 : i32
      %add3A_154 = arith.addi %mul3A_2, %mul3A_153 : i32
      %multiple_of3A_155 = tpu.assume_multiple %add3A_154, 8 : i32
      %dma_start3A_156 = arith.constant 0 : i32
      %dma_start3A_157 = tpu.memref_slice %arg5[%multiple_of3A_155, %dma_start3A_156] : memref<32768x1024xf32, #tpu.memory_space<hbm>> -> memref<8x1024xf32, #tpu.memory_space<hbm>>
      %dma_start3A_158 = arith.constant 0 : i32
      %dma_start3A_159 = tpu.memref_slice %arg5[%multiple_of3A_155, %dma_start3A_158] : memref<32768x1024xf32, #tpu.memory_space<hbm>> -> memref<8x1024xf32, #tpu.memory_space<hbm>>
      tpu.enqueue_dma source(%arg8 : memref<8x1024xf32, #tpu.memory_space<vmem>>) target(%dma_start3A_159 : memref<8x1024xf32, #tpu.memory_space<hbm>>) target_semaphore(%arg24 : memref<!tpu.dma_semaphore, #tpu.memory_space<semaphore_mem>>)
      %gt3A = arith.constant 0 : i32
      %gt3A_160 = arith.cmpi sgt, %scan3A_129, %gt3A : i32
      %convert_element_type3A = arith.extui %gt3A_160 : i1 to i32
      %cond3A = arith.constant 0 : i32
      %cond3A_161 = arith.cmpi ne, %convert_element_type3A, %cond3A : i32
      scf.if %cond3A_161 {
        %sub3A_527 = arith.constant 4 : i32
        %sub3A_528 = arith.subi %add3A_133, %sub3A_527 : i32
        %mul3A_529 = arith.constant 8 : i32
        %mul3A_530 = arith.muli %sub3A_528, %mul3A_529 : i32
        %add3A_531 = arith.addi %mul3A_2, %mul3A_530 : i32
        %multiple_of3A_532 = tpu.assume_multiple %add3A_531, 8 : i32
        %dma_wait3A_533 = arith.constant 0 : i32
        %dma_wait3A_534 = tpu.memref_slice %arg5[%multiple_of3A_532, %dma_wait3A_533] : memref<32768x1024xf32, #tpu.memory_space<hbm>> -> memref<8x1024xf32, #tpu.memory_space<hbm>>
        %dma_wait3A_535 = arith.constant 0 : i32
        %dma_wait3A_536 = tpu.memref_slice %arg5[%multiple_of3A_532, %dma_wait3A_535] : memref<32768x1024xf32, #tpu.memory_space<hbm>> -> memref<8x1024xf32, #tpu.memory_space<hbm>>
        tpu.wait_dma2 semaphore(%arg28 : memref<!tpu.dma_semaphore, #tpu.memory_space<semaphore_mem>>) src(%arg12 : memref<8x1024xf32, #tpu.memory_space<vmem>>) dst(%dma_wait3A_536 : memref<8x1024xf32, #tpu.memory_space<hbm>>)
      } else {
      }
      %add3A_162 = arith.constant 4 : i32
      %add3A_163 = arith.addi %add3A_133, %add3A_162 : i32
      %mul3A_164 = arith.constant 8 : i32
      %mul3A_165 = arith.muli %add3A_163, %mul3A_164 : i32
      %dma_start3A_166 = arith.constant 0 : i32
      %dma_start3A_167 = arith.constant 0 : i32
      %dma_start3A_168 = tpu.memref_slice %arg12[%dma_start3A_166, %dma_start3A_167] : memref<8x1024xf32, #tpu.memory_space<vmem>> -> memref<8x512xf32, #tpu.memory_space<vmem>>
      %dma_start3A_169 = tpu.memref_slice %arg6[%mul3A_165] : memref<1024xi32, #tpu.memory_space<vmem>> -> memref<8xi32, #tpu.memory_space<vmem>>
      %dma_start3A_170 = arith.constant 0 : i32
      %dma_start3A_171 = arith.constant 0 : i32
      %dma_start3A_172 = tpu.memref_slice %arg2[%dma_start3A_170, %dma_start3A_171] : memref<1200x512xf32, #tpu.memory_space<hbm>> -> memref<1200x512xf32, #tpu.memory_space<hbm>>
      tpu.enqueue_indirect_dma source(%dma_start3A_172 : memref<1200x512xf32, #tpu.memory_space<hbm>>) target(%dma_start3A_168 : memref<8x512xf32, #tpu.memory_space<vmem>>) offsets(%dma_start3A_169 : memref<8xi32, #tpu.memory_space<vmem>>) semaphore(%arg20 : memref<!tpu.dma_semaphore, #tpu.memory_space<semaphore_mem>>)
      %mul3A_173 = arith.constant 8 : i32
      %mul3A_174 = arith.muli %add3A_163, %mul3A_173 : i32
      %dma_start3A_175 = arith.constant 0 : i32
      %dma_start3A_176 = arith.constant 512 : i32
      %dma_start3A_177 = tpu.memref_slice %arg12[%dma_start3A_175, %dma_start3A_176] : memref<8x1024xf32, #tpu.memory_space<vmem>> -> memref<8x512xf32, #tpu.memory_space<vmem>>
      %dma_start3A_178 = tpu.memref_slice %arg7[%mul3A_174] : memref<1024xi32, #tpu.memory_space<vmem>> -> memref<8xi32, #tpu.memory_space<vmem>>
      %dma_start3A_179 = arith.constant 0 : i32
      %dma_start3A_180 = arith.constant 0 : i32
      %dma_start3A_181 = tpu.memref_slice %arg2[%dma_start3A_179, %dma_start3A_180] : memref<1200x512xf32, #tpu.memory_space<hbm>> -> memref<1200x512xf32, #tpu.memory_space<hbm>>
      tpu.enqueue_indirect_dma source(%dma_start3A_181 : memref<1200x512xf32, #tpu.memory_space<hbm>>) target(%dma_start3A_177 : memref<8x512xf32, #tpu.memory_space<vmem>>) offsets(%dma_start3A_178 : memref<8xi32, #tpu.memory_space<vmem>>) semaphore(%arg20 : memref<!tpu.dma_semaphore, #tpu.memory_space<semaphore_mem>>)
      %mul3A_182 = arith.constant 8 : i32
      %mul3A_183 = arith.muli %mul3A_182, %scan3A_129 : i32
      %add3A_184 = arith.constant 1 : i32
      %add3A_185 = arith.addi %mul3A_183, %add3A_184 : i32
      %mul3A_186 = arith.constant 8 : i32
      %mul3A_187 = arith.muli %add3A_185, %mul3A_186 : i32
      %dma_wait3A_188 = arith.constant 0 : i32
      %dma_wait3A_189 = arith.constant 0 : i32
      %dma_wait3A_190 = tpu.memref_slice %arg9[%dma_wait3A_188, %dma_wait3A_189] : memref<8x1024xf32, #tpu.memory_space<vmem>> -> memref<8x512xf32, #tpu.memory_space<vmem>>
      %dma_wait3A_191 = tpu.memref_slice %arg6[%mul3A_187] : memref<1024xi32, #tpu.memory_space<vmem>> -> memref<8xi32, #tpu.memory_space<vmem>>
      %dma_wait3A_192 = arith.constant 0 : i32
      %dma_wait3A_193 = arith.constant 0 : i32
      %dma_wait3A_194 = tpu.memref_slice %arg2[%dma_wait3A_192, %dma_wait3A_193] : memref<1200x512xf32, #tpu.memory_space<hbm>> -> memref<1200x512xf32, #tpu.memory_space<hbm>>
      tpu.wait_indirect_dma semaphore(%arg17 : memref<!tpu.dma_semaphore, #tpu.memory_space<semaphore_mem>>) src(%dma_wait3A_194 : memref<1200x512xf32, #tpu.memory_space<hbm>>) dst(%dma_wait3A_190 : memref<8x512xf32, #tpu.memory_space<vmem>>)
      %mul3A_195 = arith.constant 8 : i32
      %mul3A_196 = arith.muli %add3A_185, %mul3A_195 : i32
      %dma_wait3A_197 = arith.constant 0 : i32
      %dma_wait3A_198 = arith.constant 512 : i32
      %dma_wait3A_199 = tpu.memref_slice %arg9[%dma_wait3A_197, %dma_wait3A_198] : memref<8x1024xf32, #tpu.memory_space<vmem>> -> memref<8x512xf32, #tpu.memory_space<vmem>>
      %dma_wait3A_200 = tpu.memref_slice %arg7[%mul3A_196] : memref<1024xi32, #tpu.memory_space<vmem>> -> memref<8xi32, #tpu.memory_space<vmem>>
      %dma_wait3A_201 = arith.constant 0 : i32
      %dma_wait3A_202 = arith.constant 0 : i32
      %dma_wait3A_203 = tpu.memref_slice %arg2[%dma_wait3A_201, %dma_wait3A_202] : memref<1200x512xf32, #tpu.memory_space<hbm>> -> memref<1200x512xf32, #tpu.memory_space<hbm>>
      tpu.wait_indirect_dma semaphore(%arg17 : memref<!tpu.dma_semaphore, #tpu.memory_space<semaphore_mem>>) src(%dma_wait3A_203 : memref<1200x512xf32, #tpu.memory_space<hbm>>) dst(%dma_wait3A_199 : memref<8x512xf32, #tpu.memory_space<vmem>>)
      %mul3A_204 = arith.constant 8 : i32
      %mul3A_205 = arith.muli %add3A_185, %mul3A_204 : i32
      %add3A_206 = arith.addi %mul3A_2, %mul3A_205 : i32
      %multiple_of3A_207 = tpu.assume_multiple %add3A_206, 8 : i32
      %dma_start3A_208 = arith.constant 0 : i32
      %dma_start3A_209 = tpu.memref_slice %arg5[%multiple_of3A_207, %dma_start3A_208] : memref<32768x1024xf32, #tpu.memory_space<hbm>> -> memref<8x1024xf32, #tpu.memory_space<hbm>>
      %dma_start3A_210 = arith.constant 0 : i32
      %dma_start3A_211 = tpu.memref_slice %arg5[%multiple_of3A_207, %dma_start3A_210] : memref<32768x1024xf32, #tpu.memory_space<hbm>> -> memref<8x1024xf32, #tpu.memory_space<hbm>>
      tpu.enqueue_dma source(%arg9 : memref<8x1024xf32, #tpu.memory_space<vmem>>) target(%dma_start3A_211 : memref<8x1024xf32, #tpu.memory_space<hbm>>) target_semaphore(%arg25 : memref<!tpu.dma_semaphore, #tpu.memory_space<semaphore_mem>>)
      %gt3A_212 = arith.constant 0 : i32
      %gt3A_213 = arith.cmpi sgt, %scan3A_129, %gt3A_212 : i32
      %convert_element_type3A_214 = arith.extui %gt3A_213 : i1 to i32
      %cond3A_215 = arith.constant 0 : i32
      %cond3A_216 = arith.cmpi ne, %convert_element_type3A_214, %cond3A_215 : i32
      scf.if %cond3A_216 {
        %sub3A_527 = arith.constant 4 : i32
        %sub3A_528 = arith.subi %add3A_185, %sub3A_527 : i32
        %mul3A_529 = arith.constant 8 : i32
        %mul3A_530 = arith.muli %sub3A_528, %mul3A_529 : i32
        %add3A_531 = arith.addi %mul3A_2, %mul3A_530 : i32
        %multiple_of3A_532 = tpu.assume_multiple %add3A_531, 8 : i32
        %dma_wait3A_533 = arith.constant 0 : i32
        %dma_wait3A_534 = tpu.memref_slice %arg5[%multiple_of3A_532, %dma_wait3A_533] : memref<32768x1024xf32, #tpu.memory_space<hbm>> -> memref<8x1024xf32, #tpu.memory_space<hbm>>
        %dma_wait3A_535 = arith.constant 0 : i32
        %dma_wait3A_536 = tpu.memref_slice %arg5[%multiple_of3A_532, %dma_wait3A_535] : memref<32768x1024xf32, #tpu.memory_space<hbm>> -> memref<8x1024xf32, #tpu.memory_space<hbm>>
        tpu.wait_dma2 semaphore(%arg29 : memref<!tpu.dma_semaphore, #tpu.memory_space<semaphore_mem>>) src(%arg13 : memref<8x1024xf32, #tpu.memory_space<vmem>>) dst(%dma_wait3A_536 : memref<8x1024xf32, #tpu.memory_space<hbm>>)
      } else {
      }
      %add3A_217 = arith.constant 4 : i32
      %add3A_218 = arith.addi %add3A_185, %add3A_217 : i32
      %mul3A_219 = arith.constant 8 : i32
      %mul3A_220 = arith.muli %add3A_218, %mul3A_219 : i32
      %dma_start3A_221 = arith.constant 0 : i32
      %dma_start3A_222 = arith.constant 0 : i32
      %dma_start3A_223 = tpu.memref_slice %arg13[%dma_start3A_221, %dma_start3A_222] : memref<8x1024xf32, #tpu.memory_space<vmem>> -> memref<8x512xf32, #tpu.memory_space<vmem>>
      %dma_start3A_224 = tpu.memref_slice %arg6[%mul3A_220] : memref<1024xi32, #tpu.memory_space<vmem>> -> memref<8xi32, #tpu.memory_space<vmem>>
      %dma_start3A_225 = arith.constant 0 : i32
      %dma_start3A_226 = arith.constant 0 : i32
      %dma_start3A_227 = tpu.memref_slice %arg2[%dma_start3A_225, %dma_start3A_226] : memref<1200x512xf32, #tpu.memory_space<hbm>> -> memref<1200x512xf32, #tpu.memory_space<hbm>>
      tpu.enqueue_indirect_dma source(%dma_start3A_227 : memref<1200x512xf32, #tpu.memory_space<hbm>>) target(%dma_start3A_223 : memref<8x512xf32, #tpu.memory_space<vmem>>) offsets(%dma_start3A_224 : memref<8xi32, #tpu.memory_space<vmem>>) semaphore(%arg21 : memref<!tpu.dma_semaphore, #tpu.memory_space<semaphore_mem>>)
      %mul3A_228 = arith.constant 8 : i32
      %mul3A_229 = arith.muli %add3A_218, %mul3A_228 : i32
      %dma_start3A_230 = arith.constant 0 : i32
      %dma_start3A_231 = arith.constant 512 : i32
      %dma_start3A_232 = tpu.memref_slice %arg13[%dma_start3A_230, %dma_start3A_231] : memref<8x1024xf32, #tpu.memory_space<vmem>> -> memref<8x512xf32, #tpu.memory_space<vmem>>
      %dma_start3A_233 = tpu.memref_slice %arg7[%mul3A_229] : memref<1024xi32, #tpu.memory_space<vmem>> -> memref<8xi32, #tpu.memory_space<vmem>>
      %dma_start3A_234 = arith.constant 0 : i32
      %dma_start3A_235 = arith.constant 0 : i32
      %dma_start3A_236 = tpu.memref_slice %arg2[%dma_start3A_234, %dma_start3A_235] : memref<1200x512xf32, #tpu.memory_space<hbm>> -> memref<1200x512xf32, #tpu.memory_space<hbm>>
      tpu.enqueue_indirect_dma source(%dma_start3A_236 : memref<1200x512xf32, #tpu.memory_space<hbm>>) target(%dma_start3A_232 : memref<8x512xf32, #tpu.memory_space<vmem>>) offsets(%dma_start3A_233 : memref<8xi32, #tpu.memory_space<vmem>>) semaphore(%arg21 : memref<!tpu.dma_semaphore, #tpu.memory_space<semaphore_mem>>)
      %mul3A_237 = arith.constant 8 : i32
      %mul3A_238 = arith.muli %mul3A_237, %scan3A_129 : i32
      %add3A_239 = arith.constant 2 : i32
      %add3A_240 = arith.addi %mul3A_238, %add3A_239 : i32
      %mul3A_241 = arith.constant 8 : i32
      %mul3A_242 = arith.muli %add3A_240, %mul3A_241 : i32
      %dma_wait3A_243 = arith.constant 0 : i32
      %dma_wait3A_244 = arith.constant 0 : i32
      %dma_wait3A_245 = tpu.memref_slice %arg10[%dma_wait3A_243, %dma_wait3A_244] : memref<8x1024xf32, #tpu.memory_space<vmem>> -> memref<8x512xf32, #tpu.memory_space<vmem>>
      %dma_wait3A_246 = tpu.memref_slice %arg6[%mul3A_242] : memref<1024xi32, #tpu.memory_space<vmem>> -> memref<8xi32, #tpu.memory_space<vmem>>
      %dma_wait3A_247 = arith.constant 0 : i32
      %dma_wait3A_248 = arith.constant 0 : i32
      %dma_wait3A_249 = tpu.memref_slice %arg2[%dma_wait3A_247, %dma_wait3A_248] : memref<1200x512xf32, #tpu.memory_space<hbm>> -> memref<1200x512xf32, #tpu.memory_space<hbm>>
      tpu.wait_indirect_dma semaphore(%arg18 : memref<!tpu.dma_semaphore, #tpu.memory_space<semaphore_mem>>) src(%dma_wait3A_249 : memref<1200x512xf32, #tpu.memory_space<hbm>>) dst(%dma_wait3A_245 : memref<8x512xf32, #tpu.memory_space<vmem>>)
      %mul3A_250 = arith.constant 8 : i32
      %mul3A_251 = arith.muli %add3A_240, %mul3A_250 : i32
      %dma_wait3A_252 = arith.constant 0 : i32
      %dma_wait3A_253 = arith.constant 512 : i32
      %dma_wait3A_254 = tpu.memref_slice %arg10[%dma_wait3A_252, %dma_wait3A_253] : memref<8x1024xf32, #tpu.memory_space<vmem>> -> memref<8x512xf32, #tpu.memory_space<vmem>>
      %dma_wait3A_255 = tpu.memref_slice %arg7[%mul3A_251] : memref<1024xi32, #tpu.memory_space<vmem>> -> memref<8xi32, #tpu.memory_space<vmem>>
      %dma_wait3A_256 = arith.constant 0 : i32
      %dma_wait3A_257 = arith.constant 0 : i32
      %dma_wait3A_258 = tpu.memref_slice %arg2[%dma_wait3A_256, %dma_wait3A_257] : memref<1200x512xf32, #tpu.memory_space<hbm>> -> memref<1200x512xf32, #tpu.memory_space<hbm>>
      tpu.wait_indirect_dma semaphore(%arg18 : memref<!tpu.dma_semaphore, #tpu.memory_space<semaphore_mem>>) src(%dma_wait3A_258 : memref<1200x512xf32, #tpu.memory_space<hbm>>) dst(%dma_wait3A_254 : memref<8x512xf32, #tpu.memory_space<vmem>>)
      %mul3A_259 = arith.constant 8 : i32
      %mul3A_260 = arith.muli %add3A_240, %mul3A_259 : i32
      %add3A_261 = arith.addi %mul3A_2, %mul3A_260 : i32
      %multiple_of3A_262 = tpu.assume_multiple %add3A_261, 8 : i32
      %dma_start3A_263 = arith.constant 0 : i32
      %dma_start3A_264 = tpu.memref_slice %arg5[%multiple_of3A_262, %dma_start3A_263] : memref<32768x1024xf32, #tpu.memory_space<hbm>> -> memref<8x1024xf32, #tpu.memory_space<hbm>>
      %dma_start3A_265 = arith.constant 0 : i32
      %dma_start3A_266 = tpu.memref_slice %arg5[%multiple_of3A_262, %dma_start3A_265] : memref<32768x1024xf32, #tpu.memory_space<hbm>> -> memref<8x1024xf32, #tpu.memory_space<hbm>>
      tpu.enqueue_dma source(%arg10 : memref<8x1024xf32, #tpu.memory_space<vmem>>) target(%dma_start3A_266 : memref<8x1024xf32, #tpu.memory_space<hbm>>) target_semaphore(%arg26 : memref<!tpu.dma_semaphore, #tpu.memory_space<semaphore_mem>>)
      %gt3A_267 = arith.constant 0 : i32
      %gt3A_268 = arith.cmpi sgt, %scan3A_129, %gt3A_267 : i32
      %convert_element_type3A_269 = arith.extui %gt3A_268 : i1 to i32
      %cond3A_270 = arith.constant 0 : i32
      %cond3A_271 = arith.cmpi ne, %convert_element_type3A_269, %cond3A_270 : i32
      scf.if %cond3A_271 {
        %sub3A_527 = arith.constant 4 : i32
        %sub3A_528 = arith.subi %add3A_240, %sub3A_527 : i32
        %mul3A_529 = arith.constant 8 : i32
        %mul3A_530 = arith.muli %sub3A_528, %mul3A_529 : i32
        %add3A_531 = arith.addi %mul3A_2, %mul3A_530 : i32
        %multiple_of3A_532 = tpu.assume_multiple %add3A_531, 8 : i32
        %dma_wait3A_533 = arith.constant 0 : i32
        %dma_wait3A_534 = tpu.memref_slice %arg5[%multiple_of3A_532, %dma_wait3A_533] : memref<32768x1024xf32, #tpu.memory_space<hbm>> -> memref<8x1024xf32, #tpu.memory_space<hbm>>
        %dma_wait3A_535 = arith.constant 0 : i32
        %dma_wait3A_536 = tpu.memref_slice %arg5[%multiple_of3A_532, %dma_wait3A_535] : memref<32768x1024xf32, #tpu.memory_space<hbm>> -> memref<8x1024xf32, #tpu.memory_space<hbm>>
        tpu.wait_dma2 semaphore(%arg30 : memref<!tpu.dma_semaphore, #tpu.memory_space<semaphore_mem>>) src(%arg14 : memref<8x1024xf32, #tpu.memory_space<vmem>>) dst(%dma_wait3A_536 : memref<8x1024xf32, #tpu.memory_space<hbm>>)
      } else {
      }
      %add3A_272 = arith.constant 4 : i32
      %add3A_273 = arith.addi %add3A_240, %add3A_272 : i32
      %mul3A_274 = arith.constant 8 : i32
      %mul3A_275 = arith.muli %add3A_273, %mul3A_274 : i32
      %dma_start3A_276 = arith.constant 0 : i32
      %dma_start3A_277 = arith.constant 0 : i32
      %dma_start3A_278 = tpu.memref_slice %arg14[%dma_start3A_276, %dma_start3A_277] : memref<8x1024xf32, #tpu.memory_space<vmem>> -> memref<8x512xf32, #tpu.memory_space<vmem>>
      %dma_start3A_279 = tpu.memref_slice %arg6[%mul3A_275] : memref<1024xi32, #tpu.memory_space<vmem>> -> memref<8xi32, #tpu.memory_space<vmem>>
      %dma_start3A_280 = arith.constant 0 : i32
      %dma_start3A_281 = arith.constant 0 : i32
      %dma_start3A_282 = tpu.memref_slice %arg2[%dma_start3A_280, %dma_start3A_281] : memref<1200x512xf32, #tpu.memory_space<hbm>> -> memref<1200x512xf32, #tpu.memory_space<hbm>>
      tpu.enqueue_indirect_dma source(%dma_start3A_282 : memref<1200x512xf32, #tpu.memory_space<hbm>>) target(%dma_start3A_278 : memref<8x512xf32, #tpu.memory_space<vmem>>) offsets(%dma_start3A_279 : memref<8xi32, #tpu.memory_space<vmem>>) semaphore(%arg22 : memref<!tpu.dma_semaphore, #tpu.memory_space<semaphore_mem>>)
      %mul3A_283 = arith.constant 8 : i32
      %mul3A_284 = arith.muli %add3A_273, %mul3A_283 : i32
      %dma_start3A_285 = arith.constant 0 : i32
      %dma_start3A_286 = arith.constant 512 : i32
      %dma_start3A_287 = tpu.memref_slice %arg14[%dma_start3A_285, %dma_start3A_286] : memref<8x1024xf32, #tpu.memory_space<vmem>> -> memref<8x512xf32, #tpu.memory_space<vmem>>
      %dma_start3A_288 = tpu.memref_slice %arg7[%mul3A_284] : memref<1024xi32, #tpu.memory_space<vmem>> -> memref<8xi32, #tpu.memory_space<vmem>>
      %dma_start3A_289 = arith.constant 0 : i32
      %dma_start3A_290 = arith.constant 0 : i32
      %dma_start3A_291 = tpu.memref_slice %arg2[%dma_start3A_289, %dma_start3A_290] : memref<1200x512xf32, #tpu.memory_space<hbm>> -> memref<1200x512xf32, #tpu.memory_space<hbm>>
      tpu.enqueue_indirect_dma source(%dma_start3A_291 : memref<1200x512xf32, #tpu.memory_space<hbm>>) target(%dma_start3A_287 : memref<8x512xf32, #tpu.memory_space<vmem>>) offsets(%dma_start3A_288 : memref<8xi32, #tpu.memory_space<vmem>>) semaphore(%arg22 : memref<!tpu.dma_semaphore, #tpu.memory_space<semaphore_mem>>)
      %mul3A_292 = arith.constant 8 : i32
      %mul3A_293 = arith.muli %mul3A_292, %scan3A_129 : i32
      %add3A_294 = arith.constant 3 : i32
      %add3A_295 = arith.addi %mul3A_293, %add3A_294 : i32
      %mul3A_296 = arith.constant 8 : i32
      %mul3A_297 = arith.muli %add3A_295, %mul3A_296 : i32
      %dma_wait3A_298 = arith.constant 0 : i32
      %dma_wait3A_299 = arith.constant 0 : i32
      %dma_wait3A_300 = tpu.memref_slice %arg11[%dma_wait3A_298, %dma_wait3A_299] : memref<8x1024xf32, #tpu.memory_space<vmem>> -> memref<8x512xf32, #tpu.memory_space<vmem>>
      %dma_wait3A_301 = tpu.memref_slice %arg6[%mul3A_297] : memref<1024xi32, #tpu.memory_space<vmem>> -> memref<8xi32, #tpu.memory_space<vmem>>
      %dma_wait3A_302 = arith.constant 0 : i32
      %dma_wait3A_303 = arith.constant 0 : i32
      %dma_wait3A_304 = tpu.memref_slice %arg2[%dma_wait3A_302, %dma_wait3A_303] : memref<1200x512xf32, #tpu.memory_space<hbm>> -> memref<1200x512xf32, #tpu.memory_space<hbm>>
      tpu.wait_indirect_dma semaphore(%arg19 : memref<!tpu.dma_semaphore, #tpu.memory_space<semaphore_mem>>) src(%dma_wait3A_304 : memref<1200x512xf32, #tpu.memory_space<hbm>>) dst(%dma_wait3A_300 : memref<8x512xf32, #tpu.memory_space<vmem>>)
      %mul3A_305 = arith.constant 8 : i32
      %mul3A_306 = arith.muli %add3A_295, %mul3A_305 : i32
      %dma_wait3A_307 = arith.constant 0 : i32
      %dma_wait3A_308 = arith.constant 512 : i32
      %dma_wait3A_309 = tpu.memref_slice %arg11[%dma_wait3A_307, %dma_wait3A_308] : memref<8x1024xf32, #tpu.memory_space<vmem>> -> memref<8x512xf32, #tpu.memory_space<vmem>>
      %dma_wait3A_310 = tpu.memref_slice %arg7[%mul3A_306] : memref<1024xi32, #tpu.memory_space<vmem>> -> memref<8xi32, #tpu.memory_space<vmem>>
      %dma_wait3A_311 = arith.constant 0 : i32
      %dma_wait3A_312 = arith.constant 0 : i32
      %dma_wait3A_313 = tpu.memref_slice %arg2[%dma_wait3A_311, %dma_wait3A_312] : memref<1200x512xf32, #tpu.memory_space<hbm>> -> memref<1200x512xf32, #tpu.memory_space<hbm>>
      tpu.wait_indirect_dma semaphore(%arg19 : memref<!tpu.dma_semaphore, #tpu.memory_space<semaphore_mem>>) src(%dma_wait3A_313 : memref<1200x512xf32, #tpu.memory_space<hbm>>) dst(%dma_wait3A_309 : memref<8x512xf32, #tpu.memory_space<vmem>>)
      %mul3A_314 = arith.constant 8 : i32
      %mul3A_315 = arith.muli %add3A_295, %mul3A_314 : i32
      %add3A_316 = arith.addi %mul3A_2, %mul3A_315 : i32
      %multiple_of3A_317 = tpu.assume_multiple %add3A_316, 8 : i32
      %dma_start3A_318 = arith.constant 0 : i32
      %dma_start3A_319 = tpu.memref_slice %arg5[%multiple_of3A_317, %dma_start3A_318] : memref<32768x1024xf32, #tpu.memory_space<hbm>> -> memref<8x1024xf32, #tpu.memory_space<hbm>>
      %dma_start3A_320 = arith.constant 0 : i32
      %dma_start3A_321 = tpu.memref_slice %arg5[%multiple_of3A_317, %dma_start3A_320] : memref<32768x1024xf32, #tpu.memory_space<hbm>> -> memref<8x1024xf32, #tpu.memory_space<hbm>>
      tpu.enqueue_dma source(%arg11 : memref<8x1024xf32, #tpu.memory_space<vmem>>) target(%dma_start3A_321 : memref<8x1024xf32, #tpu.memory_space<hbm>>) target_semaphore(%arg27 : memref<!tpu.dma_semaphore, #tpu.memory_space<semaphore_mem>>)
      %gt3A_322 = arith.constant 0 : i32
      %gt3A_323 = arith.cmpi sgt, %scan3A_129, %gt3A_322 : i32
      %convert_element_type3A_324 = arith.extui %gt3A_323 : i1 to i32
      %cond3A_325 = arith.constant 0 : i32
      %cond3A_326 = arith.cmpi ne, %convert_element_type3A_324, %cond3A_325 : i32
      scf.if %cond3A_326 {
        %sub3A_527 = arith.constant 4 : i32
        %sub3A_528 = arith.subi %add3A_295, %sub3A_527 : i32
        %mul3A_529 = arith.constant 8 : i32
        %mul3A_530 = arith.muli %sub3A_528, %mul3A_529 : i32
        %add3A_531 = arith.addi %mul3A_2, %mul3A_530 : i32
        %multiple_of3A_532 = tpu.assume_multiple %add3A_531, 8 : i32
        %dma_wait3A_533 = arith.constant 0 : i32
        %dma_wait3A_534 = tpu.memref_slice %arg5[%multiple_of3A_532, %dma_wait3A_533] : memref<32768x1024xf32, #tpu.memory_space<hbm>> -> memref<8x1024xf32, #tpu.memory_space<hbm>>
        %dma_wait3A_535 = arith.constant 0 : i32
        %dma_wait3A_536 = tpu.memref_slice %arg5[%multiple_of3A_532, %dma_wait3A_535] : memref<32768x1024xf32, #tpu.memory_space<hbm>> -> memref<8x1024xf32, #tpu.memory_space<hbm>>
        tpu.wait_dma2 semaphore(%arg31 : memref<!tpu.dma_semaphore, #tpu.memory_space<semaphore_mem>>) src(%arg15 : memref<8x1024xf32, #tpu.memory_space<vmem>>) dst(%dma_wait3A_536 : memref<8x1024xf32, #tpu.memory_space<hbm>>)
      } else {
      }
      %add3A_327 = arith.constant 4 : i32
      %add3A_328 = arith.addi %add3A_295, %add3A_327 : i32
      %mul3A_329 = arith.constant 8 : i32
      %mul3A_330 = arith.muli %add3A_328, %mul3A_329 : i32
      %dma_start3A_331 = arith.constant 0 : i32
      %dma_start3A_332 = arith.constant 0 : i32
      %dma_start3A_333 = tpu.memref_slice %arg15[%dma_start3A_331, %dma_start3A_332] : memref<8x1024xf32, #tpu.memory_space<vmem>> -> memref<8x512xf32, #tpu.memory_space<vmem>>
      %dma_start3A_334 = tpu.memref_slice %arg6[%mul3A_330] : memref<1024xi32, #tpu.memory_space<vmem>> -> memref<8xi32, #tpu.memory_space<vmem>>
      %dma_start3A_335 = arith.constant 0 : i32
      %dma_start3A_336 = arith.constant 0 : i32
      %dma_start3A_337 = tpu.memref_slice %arg2[%dma_start3A_335, %dma_start3A_336] : memref<1200x512xf32, #tpu.memory_space<hbm>> -> memref<1200x512xf32, #tpu.memory_space<hbm>>
      tpu.enqueue_indirect_dma source(%dma_start3A_337 : memref<1200x512xf32, #tpu.memory_space<hbm>>) target(%dma_start3A_333 : memref<8x512xf32, #tpu.memory_space<vmem>>) offsets(%dma_start3A_334 : memref<8xi32, #tpu.memory_space<vmem>>) semaphore(%arg23 : memref<!tpu.dma_semaphore, #tpu.memory_space<semaphore_mem>>)
      %mul3A_338 = arith.constant 8 : i32
      %mul3A_339 = arith.muli %add3A_328, %mul3A_338 : i32
      %dma_start3A_340 = arith.constant 0 : i32
      %dma_start3A_341 = arith.constant 512 : i32
      %dma_start3A_342 = tpu.memref_slice %arg15[%dma_start3A_340, %dma_start3A_341] : memref<8x1024xf32, #tpu.memory_space<vmem>> -> memref<8x512xf32, #tpu.memory_space<vmem>>
      %dma_start3A_343 = tpu.memref_slice %arg7[%mul3A_339] : memref<1024xi32, #tpu.memory_space<vmem>> -> memref<8xi32, #tpu.memory_space<vmem>>
      %dma_start3A_344 = arith.constant 0 : i32
      %dma_start3A_345 = arith.constant 0 : i32
      %dma_start3A_346 = tpu.memref_slice %arg2[%dma_start3A_344, %dma_start3A_345] : memref<1200x512xf32, #tpu.memory_space<hbm>> -> memref<1200x512xf32, #tpu.memory_space<hbm>>
      tpu.enqueue_indirect_dma source(%dma_start3A_346 : memref<1200x512xf32, #tpu.memory_space<hbm>>) target(%dma_start3A_342 : memref<8x512xf32, #tpu.memory_space<vmem>>) offsets(%dma_start3A_343 : memref<8xi32, #tpu.memory_space<vmem>>) semaphore(%arg23 : memref<!tpu.dma_semaphore, #tpu.memory_space<semaphore_mem>>)
      %mul3A_347 = arith.constant 8 : i32
      %mul3A_348 = arith.muli %mul3A_347, %scan3A_129 : i32
      %add3A_349 = arith.constant 4 : i32
      %add3A_350 = arith.addi %mul3A_348, %add3A_349 : i32
      %mul3A_351 = arith.constant 8 : i32
      %mul3A_352 = arith.muli %add3A_350, %mul3A_351 : i32
      %dma_wait3A_353 = arith.constant 0 : i32
      %dma_wait3A_354 = arith.constant 0 : i32
      %dma_wait3A_355 = tpu.memref_slice %arg12[%dma_wait3A_353, %dma_wait3A_354] : memref<8x1024xf32, #tpu.memory_space<vmem>> -> memref<8x512xf32, #tpu.memory_space<vmem>>
      %dma_wait3A_356 = tpu.memref_slice %arg6[%mul3A_352] : memref<1024xi32, #tpu.memory_space<vmem>> -> memref<8xi32, #tpu.memory_space<vmem>>
      %dma_wait3A_357 = arith.constant 0 : i32
      %dma_wait3A_358 = arith.constant 0 : i32
      %dma_wait3A_359 = tpu.memref_slice %arg2[%dma_wait3A_357, %dma_wait3A_358] : memref<1200x512xf32, #tpu.memory_space<hbm>> -> memref<1200x512xf32, #tpu.memory_space<hbm>>
      tpu.wait_indirect_dma semaphore(%arg20 : memref<!tpu.dma_semaphore, #tpu.memory_space<semaphore_mem>>) src(%dma_wait3A_359 : memref<1200x512xf32, #tpu.memory_space<hbm>>) dst(%dma_wait3A_355 : memref<8x512xf32, #tpu.memory_space<vmem>>)
      %mul3A_360 = arith.constant 8 : i32
      %mul3A_361 = arith.muli %add3A_350, %mul3A_360 : i32
      %dma_wait3A_362 = arith.constant 0 : i32
      %dma_wait3A_363 = arith.constant 512 : i32
      %dma_wait3A_364 = tpu.memref_slice %arg12[%dma_wait3A_362, %dma_wait3A_363] : memref<8x1024xf32, #tpu.memory_space<vmem>> -> memref<8x512xf32, #tpu.memory_space<vmem>>
      %dma_wait3A_365 = tpu.memref_slice %arg7[%mul3A_361] : memref<1024xi32, #tpu.memory_space<vmem>> -> memref<8xi32, #tpu.memory_space<vmem>>
      %dma_wait3A_366 = arith.constant 0 : i32
      %dma_wait3A_367 = arith.constant 0 : i32
      %dma_wait3A_368 = tpu.memref_slice %arg2[%dma_wait3A_366, %dma_wait3A_367] : memref<1200x512xf32, #tpu.memory_space<hbm>> -> memref<1200x512xf32, #tpu.memory_space<hbm>>
      tpu.wait_indirect_dma semaphore(%arg20 : memref<!tpu.dma_semaphore, #tpu.memory_space<semaphore_mem>>) src(%dma_wait3A_368 : memref<1200x512xf32, #tpu.memory_space<hbm>>) dst(%dma_wait3A_364 : memref<8x512xf32, #tpu.memory_space<vmem>>)
      %mul3A_369 = arith.constant 8 : i32
      %mul3A_370 = arith.muli %add3A_350, %mul3A_369 : i32
      %add3A_371 = arith.addi %mul3A_2, %mul3A_370 : i32
      %multiple_of3A_372 = tpu.assume_multiple %add3A_371, 8 : i32
      %dma_start3A_373 = arith.constant 0 : i32
      %dma_start3A_374 = tpu.memref_slice %arg5[%multiple_of3A_372, %dma_start3A_373] : memref<32768x1024xf32, #tpu.memory_space<hbm>> -> memref<8x1024xf32, #tpu.memory_space<hbm>>
      %dma_start3A_375 = arith.constant 0 : i32
      %dma_start3A_376 = tpu.memref_slice %arg5[%multiple_of3A_372, %dma_start3A_375] : memref<32768x1024xf32, #tpu.memory_space<hbm>> -> memref<8x1024xf32, #tpu.memory_space<hbm>>
      tpu.enqueue_dma source(%arg12 : memref<8x1024xf32, #tpu.memory_space<vmem>>) target(%dma_start3A_376 : memref<8x1024xf32, #tpu.memory_space<hbm>>) target_semaphore(%arg28 : memref<!tpu.dma_semaphore, #tpu.memory_space<semaphore_mem>>)
      %sub3A_377 = arith.constant 4 : i32
      %sub3A_378 = arith.subi %add3A_350, %sub3A_377 : i32
      %mul3A_379 = arith.constant 8 : i32
      %mul3A_380 = arith.muli %sub3A_378, %mul3A_379 : i32
      %add3A_381 = arith.addi %mul3A_2, %mul3A_380 : i32
      %multiple_of3A_382 = tpu.assume_multiple %add3A_381, 8 : i32
      %dma_wait3A_383 = arith.constant 0 : i32
      %dma_wait3A_384 = tpu.memref_slice %arg5[%multiple_of3A_382, %dma_wait3A_383] : memref<32768x1024xf32, #tpu.memory_space<hbm>> -> memref<8x1024xf32, #tpu.memory_space<hbm>>
      %dma_wait3A_385 = arith.constant 0 : i32
      %dma_wait3A_386 = tpu.memref_slice %arg5[%multiple_of3A_382, %dma_wait3A_385] : memref<32768x1024xf32, #tpu.memory_space<hbm>> -> memref<8x1024xf32, #tpu.memory_space<hbm>>
      tpu.wait_dma2 semaphore(%arg24 : memref<!tpu.dma_semaphore, #tpu.memory_space<semaphore_mem>>) src(%arg8 : memref<8x1024xf32, #tpu.memory_space<vmem>>) dst(%dma_wait3A_386 : memref<8x1024xf32, #tpu.memory_space<hbm>>)
      %lt3A_387 = arith.constant 15 : i32
      %lt3A_388 = arith.cmpi slt, %scan3A_129, %lt3A_387 : i32
      %convert_element_type3A_389 = arith.extui %lt3A_388 : i1 to i32
      %cond3A_390 = arith.constant 0 : i32
      %cond3A_391 = arith.cmpi ne, %convert_element_type3A_389, %cond3A_390 : i32
      scf.if %cond3A_391 {
        %add3A_527 = arith.constant 4 : i32
        %add3A_528 = arith.addi %add3A_350, %add3A_527 : i32
        %mul3A_529 = arith.constant 8 : i32
        %mul3A_530 = arith.muli %add3A_528, %mul3A_529 : i32
        %dma_start3A_531 = arith.constant 0 : i32
        %dma_start3A_532 = arith.constant 0 : i32
        %dma_start3A_533 = tpu.memref_slice %arg8[%dma_start3A_531, %dma_start3A_532] : memref<8x1024xf32, #tpu.memory_space<vmem>> -> memref<8x512xf32, #tpu.memory_space<vmem>>
        %dma_start3A_534 = tpu.memref_slice %arg6[%mul3A_530] : memref<1024xi32, #tpu.memory_space<vmem>> -> memref<8xi32, #tpu.memory_space<vmem>>
        %dma_start3A_535 = arith.constant 0 : i32
        %dma_start3A_536 = arith.constant 0 : i32
        %dma_start3A_537 = tpu.memref_slice %arg2[%dma_start3A_535, %dma_start3A_536] : memref<1200x512xf32, #tpu.memory_space<hbm>> -> memref<1200x512xf32, #tpu.memory_space<hbm>>
        tpu.enqueue_indirect_dma source(%dma_start3A_537 : memref<1200x512xf32, #tpu.memory_space<hbm>>) target(%dma_start3A_533 : memref<8x512xf32, #tpu.memory_space<vmem>>) offsets(%dma_start3A_534 : memref<8xi32, #tpu.memory_space<vmem>>) semaphore(%arg16 : memref<!tpu.dma_semaphore, #tpu.memory_space<semaphore_mem>>)
        %mul3A_538 = arith.constant 8 : i32
        %mul3A_539 = arith.muli %add3A_528, %mul3A_538 : i32
        %dma_start3A_540 = arith.constant 0 : i32
        %dma_start3A_541 = arith.constant 512 : i32
        %dma_start3A_542 = tpu.memref_slice %arg8[%dma_start3A_540, %dma_start3A_541] : memref<8x1024xf32, #tpu.memory_space<vmem>> -> memref<8x512xf32, #tpu.memory_space<vmem>>
        %dma_start3A_543 = tpu.memref_slice %arg7[%mul3A_539] : memref<1024xi32, #tpu.memory_space<vmem>> -> memref<8xi32, #tpu.memory_space<vmem>>
        %dma_start3A_544 = arith.constant 0 : i32
        %dma_start3A_545 = arith.constant 0 : i32
        %dma_start3A_546 = tpu.memref_slice %arg2[%dma_start3A_544, %dma_start3A_545] : memref<1200x512xf32, #tpu.memory_space<hbm>> -> memref<1200x512xf32, #tpu.memory_space<hbm>>
        tpu.enqueue_indirect_dma source(%dma_start3A_546 : memref<1200x512xf32, #tpu.memory_space<hbm>>) target(%dma_start3A_542 : memref<8x512xf32, #tpu.memory_space<vmem>>) offsets(%dma_start3A_543 : memref<8xi32, #tpu.memory_space<vmem>>) semaphore(%arg16 : memref<!tpu.dma_semaphore, #tpu.memory_space<semaphore_mem>>)
      } else {
      }
      %mul3A_392 = arith.constant 8 : i32
      %mul3A_393 = arith.muli %mul3A_392, %scan3A_129 : i32
      %add3A_394 = arith.constant 5 : i32
      %add3A_395 = arith.addi %mul3A_393, %add3A_394 : i32
      %mul3A_396 = arith.constant 8 : i32
      %mul3A_397 = arith.muli %add3A_395, %mul3A_396 : i32
      %dma_wait3A_398 = arith.constant 0 : i32
      %dma_wait3A_399 = arith.constant 0 : i32
      %dma_wait3A_400 = tpu.memref_slice %arg13[%dma_wait3A_398, %dma_wait3A_399] : memref<8x1024xf32, #tpu.memory_space<vmem>> -> memref<8x512xf32, #tpu.memory_space<vmem>>
      %dma_wait3A_401 = tpu.memref_slice %arg6[%mul3A_397] : memref<1024xi32, #tpu.memory_space<vmem>> -> memref<8xi32, #tpu.memory_space<vmem>>
      %dma_wait3A_402 = arith.constant 0 : i32
      %dma_wait3A_403 = arith.constant 0 : i32
      %dma_wait3A_404 = tpu.memref_slice %arg2[%dma_wait3A_402, %dma_wait3A_403] : memref<1200x512xf32, #tpu.memory_space<hbm>> -> memref<1200x512xf32, #tpu.memory_space<hbm>>
      tpu.wait_indirect_dma semaphore(%arg21 : memref<!tpu.dma_semaphore, #tpu.memory_space<semaphore_mem>>) src(%dma_wait3A_404 : memref<1200x512xf32, #tpu.memory_space<hbm>>) dst(%dma_wait3A_400 : memref<8x512xf32, #tpu.memory_space<vmem>>)
      %mul3A_405 = arith.constant 8 : i32
      %mul3A_406 = arith.muli %add3A_395, %mul3A_405 : i32
      %dma_wait3A_407 = arith.constant 0 : i32
      %dma_wait3A_408 = arith.constant 512 : i32
      %dma_wait3A_409 = tpu.memref_slice %arg13[%dma_wait3A_407, %dma_wait3A_408] : memref<8x1024xf32, #tpu.memory_space<vmem>> -> memref<8x512xf32, #tpu.memory_space<vmem>>
      %dma_wait3A_410 = tpu.memref_slice %arg7[%mul3A_406] : memref<1024xi32, #tpu.memory_space<vmem>> -> memref<8xi32, #tpu.memory_space<vmem>>
      %dma_wait3A_411 = arith.constant 0 : i32
      %dma_wait3A_412 = arith.constant 0 : i32
      %dma_wait3A_413 = tpu.memref_slice %arg2[%dma_wait3A_411, %dma_wait3A_412] : memref<1200x512xf32, #tpu.memory_space<hbm>> -> memref<1200x512xf32, #tpu.memory_space<hbm>>
      tpu.wait_indirect_dma semaphore(%arg21 : memref<!tpu.dma_semaphore, #tpu.memory_space<semaphore_mem>>) src(%dma_wait3A_413 : memref<1200x512xf32, #tpu.memory_space<hbm>>) dst(%dma_wait3A_409 : memref<8x512xf32, #tpu.memory_space<vmem>>)
      %mul3A_414 = arith.constant 8 : i32
      %mul3A_415 = arith.muli %add3A_395, %mul3A_414 : i32
      %add3A_416 = arith.addi %mul3A_2, %mul3A_415 : i32
      %multiple_of3A_417 = tpu.assume_multiple %add3A_416, 8 : i32
      %dma_start3A_418 = arith.constant 0 : i32
      %dma_start3A_419 = tpu.memref_slice %arg5[%multiple_of3A_417, %dma_start3A_418] : memref<32768x1024xf32, #tpu.memory_space<hbm>> -> memref<8x1024xf32, #tpu.memory_space<hbm>>
      %dma_start3A_420 = arith.constant 0 : i32
      %dma_start3A_421 = tpu.memref_slice %arg5[%multiple_of3A_417, %dma_start3A_420] : memref<32768x1024xf32, #tpu.memory_space<hbm>> -> memref<8x1024xf32, #tpu.memory_space<hbm>>
      tpu.enqueue_dma source(%arg13 : memref<8x1024xf32, #tpu.memory_space<vmem>>) target(%dma_start3A_421 : memref<8x1024xf32, #tpu.memory_space<hbm>>) target_semaphore(%arg29 : memref<!tpu.dma_semaphore, #tpu.memory_space<semaphore_mem>>)
      %sub3A_422 = arith.constant 4 : i32
      %sub3A_423 = arith.subi %add3A_395, %sub3A_422 : i32
      %mul3A_424 = arith.constant 8 : i32
      %mul3A_425 = arith.muli %sub3A_423, %mul3A_424 : i32
      %add3A_426 = arith.addi %mul3A_2, %mul3A_425 : i32
      %multiple_of3A_427 = tpu.assume_multiple %add3A_426, 8 : i32
      %dma_wait3A_428 = arith.constant 0 : i32
      %dma_wait3A_429 = tpu.memref_slice %arg5[%multiple_of3A_427, %dma_wait3A_428] : memref<32768x1024xf32, #tpu.memory_space<hbm>> -> memref<8x1024xf32, #tpu.memory_space<hbm>>
      %dma_wait3A_430 = arith.constant 0 : i32
      %dma_wait3A_431 = tpu.memref_slice %arg5[%multiple_of3A_427, %dma_wait3A_430] : memref<32768x1024xf32, #tpu.memory_space<hbm>> -> memref<8x1024xf32, #tpu.memory_space<hbm>>
      tpu.wait_dma2 semaphore(%arg25 : memref<!tpu.dma_semaphore, #tpu.memory_space<semaphore_mem>>) src(%arg9 : memref<8x1024xf32, #tpu.memory_space<vmem>>) dst(%dma_wait3A_431 : memref<8x1024xf32, #tpu.memory_space<hbm>>)
      %lt3A_432 = arith.constant 15 : i32
      %lt3A_433 = arith.cmpi slt, %scan3A_129, %lt3A_432 : i32
      %convert_element_type3A_434 = arith.extui %lt3A_433 : i1 to i32
      %cond3A_435 = arith.constant 0 : i32
      %cond3A_436 = arith.cmpi ne, %convert_element_type3A_434, %cond3A_435 : i32
      scf.if %cond3A_436 {
        %add3A_527 = arith.constant 4 : i32
        %add3A_528 = arith.addi %add3A_395, %add3A_527 : i32
        %mul3A_529 = arith.constant 8 : i32
        %mul3A_530 = arith.muli %add3A_528, %mul3A_529 : i32
        %dma_start3A_531 = arith.constant 0 : i32
        %dma_start3A_532 = arith.constant 0 : i32
        %dma_start3A_533 = tpu.memref_slice %arg9[%dma_start3A_531, %dma_start3A_532] : memref<8x1024xf32, #tpu.memory_space<vmem>> -> memref<8x512xf32, #tpu.memory_space<vmem>>
        %dma_start3A_534 = tpu.memref_slice %arg6[%mul3A_530] : memref<1024xi32, #tpu.memory_space<vmem>> -> memref<8xi32, #tpu.memory_space<vmem>>
        %dma_start3A_535 = arith.constant 0 : i32
        %dma_start3A_536 = arith.constant 0 : i32
        %dma_start3A_537 = tpu.memref_slice %arg2[%dma_start3A_535, %dma_start3A_536] : memref<1200x512xf32, #tpu.memory_space<hbm>> -> memref<1200x512xf32, #tpu.memory_space<hbm>>
        tpu.enqueue_indirect_dma source(%dma_start3A_537 : memref<1200x512xf32, #tpu.memory_space<hbm>>) target(%dma_start3A_533 : memref<8x512xf32, #tpu.memory_space<vmem>>) offsets(%dma_start3A_534 : memref<8xi32, #tpu.memory_space<vmem>>) semaphore(%arg17 : memref<!tpu.dma_semaphore, #tpu.memory_space<semaphore_mem>>)
        %mul3A_538 = arith.constant 8 : i32
        %mul3A_539 = arith.muli %add3A_528, %mul3A_538 : i32
        %dma_start3A_540 = arith.constant 0 : i32
        %dma_start3A_541 = arith.constant 512 : i32
        %dma_start3A_542 = tpu.memref_slice %arg9[%dma_start3A_540, %dma_start3A_541] : memref<8x1024xf32, #tpu.memory_space<vmem>> -> memref<8x512xf32, #tpu.memory_space<vmem>>
        %dma_start3A_543 = tpu.memref_slice %arg7[%mul3A_539] : memref<1024xi32, #tpu.memory_space<vmem>> -> memref<8xi32, #tpu.memory_space<vmem>>
        %dma_start3A_544 = arith.constant 0 : i32
        %dma_start3A_545 = arith.constant 0 : i32
        %dma_start3A_546 = tpu.memref_slice %arg2[%dma_start3A_544, %dma_start3A_545] : memref<1200x512xf32, #tpu.memory_space<hbm>> -> memref<1200x512xf32, #tpu.memory_space<hbm>>
        tpu.enqueue_indirect_dma source(%dma_start3A_546 : memref<1200x512xf32, #tpu.memory_space<hbm>>) target(%dma_start3A_542 : memref<8x512xf32, #tpu.memory_space<vmem>>) offsets(%dma_start3A_543 : memref<8xi32, #tpu.memory_space<vmem>>) semaphore(%arg17 : memref<!tpu.dma_semaphore, #tpu.memory_space<semaphore_mem>>)
      } else {
      }
      %mul3A_437 = arith.constant 8 : i32
      %mul3A_438 = arith.muli %mul3A_437, %scan3A_129 : i32
      %add3A_439 = arith.constant 6 : i32
      %add3A_440 = arith.addi %mul3A_438, %add3A_439 : i32
      %mul3A_441 = arith.constant 8 : i32
      %mul3A_442 = arith.muli %add3A_440, %mul3A_441 : i32
      %dma_wait3A_443 = arith.constant 0 : i32
      %dma_wait3A_444 = arith.constant 0 : i32
      %dma_wait3A_445 = tpu.memref_slice %arg14[%dma_wait3A_443, %dma_wait3A_444] : memref<8x1024xf32, #tpu.memory_space<vmem>> -> memref<8x512xf32, #tpu.memory_space<vmem>>
      %dma_wait3A_446 = tpu.memref_slice %arg6[%mul3A_442] : memref<1024xi32, #tpu.memory_space<vmem>> -> memref<8xi32, #tpu.memory_space<vmem>>
      %dma_wait3A_447 = arith.constant 0 : i32
      %dma_wait3A_448 = arith.constant 0 : i32
      %dma_wait3A_449 = tpu.memref_slice %arg2[%dma_wait3A_447, %dma_wait3A_448] : memref<1200x512xf32, #tpu.memory_space<hbm>> -> memref<1200x512xf32, #tpu.memory_space<hbm>>
      tpu.wait_indirect_dma semaphore(%arg22 : memref<!tpu.dma_semaphore, #tpu.memory_space<semaphore_mem>>) src(%dma_wait3A_449 : memref<1200x512xf32, #tpu.memory_space<hbm>>) dst(%dma_wait3A_445 : memref<8x512xf32, #tpu.memory_space<vmem>>)
      %mul3A_450 = arith.constant 8 : i32
      %mul3A_451 = arith.muli %add3A_440, %mul3A_450 : i32
      %dma_wait3A_452 = arith.constant 0 : i32
      %dma_wait3A_453 = arith.constant 512 : i32
      %dma_wait3A_454 = tpu.memref_slice %arg14[%dma_wait3A_452, %dma_wait3A_453] : memref<8x1024xf32, #tpu.memory_space<vmem>> -> memref<8x512xf32, #tpu.memory_space<vmem>>
      %dma_wait3A_455 = tpu.memref_slice %arg7[%mul3A_451] : memref<1024xi32, #tpu.memory_space<vmem>> -> memref<8xi32, #tpu.memory_space<vmem>>
      %dma_wait3A_456 = arith.constant 0 : i32
      %dma_wait3A_457 = arith.constant 0 : i32
      %dma_wait3A_458 = tpu.memref_slice %arg2[%dma_wait3A_456, %dma_wait3A_457] : memref<1200x512xf32, #tpu.memory_space<hbm>> -> memref<1200x512xf32, #tpu.memory_space<hbm>>
      tpu.wait_indirect_dma semaphore(%arg22 : memref<!tpu.dma_semaphore, #tpu.memory_space<semaphore_mem>>) src(%dma_wait3A_458 : memref<1200x512xf32, #tpu.memory_space<hbm>>) dst(%dma_wait3A_454 : memref<8x512xf32, #tpu.memory_space<vmem>>)
      %mul3A_459 = arith.constant 8 : i32
      %mul3A_460 = arith.muli %add3A_440, %mul3A_459 : i32
      %add3A_461 = arith.addi %mul3A_2, %mul3A_460 : i32
      %multiple_of3A_462 = tpu.assume_multiple %add3A_461, 8 : i32
      %dma_start3A_463 = arith.constant 0 : i32
      %dma_start3A_464 = tpu.memref_slice %arg5[%multiple_of3A_462, %dma_start3A_463] : memref<32768x1024xf32, #tpu.memory_space<hbm>> -> memref<8x1024xf32, #tpu.memory_space<hbm>>
      %dma_start3A_465 = arith.constant 0 : i32
      %dma_start3A_466 = tpu.memref_slice %arg5[%multiple_of3A_462, %dma_start3A_465] : memref<32768x1024xf32, #tpu.memory_space<hbm>> -> memref<8x1024xf32, #tpu.memory_space<hbm>>
      tpu.enqueue_dma source(%arg14 : memref<8x1024xf32, #tpu.memory_space<vmem>>) target(%dma_start3A_466 : memref<8x1024xf32, #tpu.memory_space<hbm>>) target_semaphore(%arg30 : memref<!tpu.dma_semaphore, #tpu.memory_space<semaphore_mem>>)
      %sub3A_467 = arith.constant 4 : i32
      %sub3A_468 = arith.subi %add3A_440, %sub3A_467 : i32
      %mul3A_469 = arith.constant 8 : i32
      %mul3A_470 = arith.muli %sub3A_468, %mul3A_469 : i32
      %add3A_471 = arith.addi %mul3A_2, %mul3A_470 : i32
      %multiple_of3A_472 = tpu.assume_multiple %add3A_471, 8 : i32
      %dma_wait3A_473 = arith.constant 0 : i32
      %dma_wait3A_474 = tpu.memref_slice %arg5[%multiple_of3A_472, %dma_wait3A_473] : memref<32768x1024xf32, #tpu.memory_space<hbm>> -> memref<8x1024xf32, #tpu.memory_space<hbm>>
      %dma_wait3A_475 = arith.constant 0 : i32
      %dma_wait3A_476 = tpu.memref_slice %arg5[%multiple_of3A_472, %dma_wait3A_475] : memref<32768x1024xf32, #tpu.memory_space<hbm>> -> memref<8x1024xf32, #tpu.memory_space<hbm>>
      tpu.wait_dma2 semaphore(%arg26 : memref<!tpu.dma_semaphore, #tpu.memory_space<semaphore_mem>>) src(%arg10 : memref<8x1024xf32, #tpu.memory_space<vmem>>) dst(%dma_wait3A_476 : memref<8x1024xf32, #tpu.memory_space<hbm>>)
      %lt3A_477 = arith.constant 15 : i32
      %lt3A_478 = arith.cmpi slt, %scan3A_129, %lt3A_477 : i32
      %convert_element_type3A_479 = arith.extui %lt3A_478 : i1 to i32
      %cond3A_480 = arith.constant 0 : i32
      %cond3A_481 = arith.cmpi ne, %convert_element_type3A_479, %cond3A_480 : i32
      scf.if %cond3A_481 {
        %add3A_527 = arith.constant 4 : i32
        %add3A_528 = arith.addi %add3A_440, %add3A_527 : i32
        %mul3A_529 = arith.constant 8 : i32
        %mul3A_530 = arith.muli %add3A_528, %mul3A_529 : i32
        %dma_start3A_531 = arith.constant 0 : i32
        %dma_start3A_532 = arith.constant 0 : i32
        %dma_start3A_533 = tpu.memref_slice %arg10[%dma_start3A_531, %dma_start3A_532] : memref<8x1024xf32, #tpu.memory_space<vmem>> -> memref<8x512xf32, #tpu.memory_space<vmem>>
        %dma_start3A_534 = tpu.memref_slice %arg6[%mul3A_530] : memref<1024xi32, #tpu.memory_space<vmem>> -> memref<8xi32, #tpu.memory_space<vmem>>
        %dma_start3A_535 = arith.constant 0 : i32
        %dma_start3A_536 = arith.constant 0 : i32
        %dma_start3A_537 = tpu.memref_slice %arg2[%dma_start3A_535, %dma_start3A_536] : memref<1200x512xf32, #tpu.memory_space<hbm>> -> memref<1200x512xf32, #tpu.memory_space<hbm>>
        tpu.enqueue_indirect_dma source(%dma_start3A_537 : memref<1200x512xf32, #tpu.memory_space<hbm>>) target(%dma_start3A_533 : memref<8x512xf32, #tpu.memory_space<vmem>>) offsets(%dma_start3A_534 : memref<8xi32, #tpu.memory_space<vmem>>) semaphore(%arg18 : memref<!tpu.dma_semaphore, #tpu.memory_space<semaphore_mem>>)
        %mul3A_538 = arith.constant 8 : i32
        %mul3A_539 = arith.muli %add3A_528, %mul3A_538 : i32
        %dma_start3A_540 = arith.constant 0 : i32
        %dma_start3A_541 = arith.constant 512 : i32
        %dma_start3A_542 = tpu.memref_slice %arg10[%dma_start3A_540, %dma_start3A_541] : memref<8x1024xf32, #tpu.memory_space<vmem>> -> memref<8x512xf32, #tpu.memory_space<vmem>>
        %dma_start3A_543 = tpu.memref_slice %arg7[%mul3A_539] : memref<1024xi32, #tpu.memory_space<vmem>> -> memref<8xi32, #tpu.memory_space<vmem>>
        %dma_start3A_544 = arith.constant 0 : i32
        %dma_start3A_545 = arith.constant 0 : i32
        %dma_start3A_546 = tpu.memref_slice %arg2[%dma_start3A_544, %dma_start3A_545] : memref<1200x512xf32, #tpu.memory_space<hbm>> -> memref<1200x512xf32, #tpu.memory_space<hbm>>
        tpu.enqueue_indirect_dma source(%dma_start3A_546 : memref<1200x512xf32, #tpu.memory_space<hbm>>) target(%dma_start3A_542 : memref<8x512xf32, #tpu.memory_space<vmem>>) offsets(%dma_start3A_543 : memref<8xi32, #tpu.memory_space<vmem>>) semaphore(%arg18 : memref<!tpu.dma_semaphore, #tpu.memory_space<semaphore_mem>>)
      } else {
      }
      %mul3A_482 = arith.constant 8 : i32
      %mul3A_483 = arith.muli %mul3A_482, %scan3A_129 : i32
      %add3A_484 = arith.constant 7 : i32
      %add3A_485 = arith.addi %mul3A_483, %add3A_484 : i32
      %mul3A_486 = arith.constant 8 : i32
      %mul3A_487 = arith.muli %add3A_485, %mul3A_486 : i32
      %dma_wait3A_488 = arith.constant 0 : i32
      %dma_wait3A_489 = arith.constant 0 : i32
      %dma_wait3A_490 = tpu.memref_slice %arg15[%dma_wait3A_488, %dma_wait3A_489] : memref<8x1024xf32, #tpu.memory_space<vmem>> -> memref<8x512xf32, #tpu.memory_space<vmem>>
      %dma_wait3A_491 = tpu.memref_slice %arg6[%mul3A_487] : memref<1024xi32, #tpu.memory_space<vmem>> -> memref<8xi32, #tpu.memory_space<vmem>>
      %dma_wait3A_492 = arith.constant 0 : i32
      %dma_wait3A_493 = arith.constant 0 : i32
      %dma_wait3A_494 = tpu.memref_slice %arg2[%dma_wait3A_492, %dma_wait3A_493] : memref<1200x512xf32, #tpu.memory_space<hbm>> -> memref<1200x512xf32, #tpu.memory_space<hbm>>
      tpu.wait_indirect_dma semaphore(%arg23 : memref<!tpu.dma_semaphore, #tpu.memory_space<semaphore_mem>>) src(%dma_wait3A_494 : memref<1200x512xf32, #tpu.memory_space<hbm>>) dst(%dma_wait3A_490 : memref<8x512xf32, #tpu.memory_space<vmem>>)
      %mul3A_495 = arith.constant 8 : i32
      %mul3A_496 = arith.muli %add3A_485, %mul3A_495 : i32
      %dma_wait3A_497 = arith.constant 0 : i32
      %dma_wait3A_498 = arith.constant 512 : i32
      %dma_wait3A_499 = tpu.memref_slice %arg15[%dma_wait3A_497, %dma_wait3A_498] : memref<8x1024xf32, #tpu.memory_space<vmem>> -> memref<8x512xf32, #tpu.memory_space<vmem>>
      %dma_wait3A_500 = tpu.memref_slice %arg7[%mul3A_496] : memref<1024xi32, #tpu.memory_space<vmem>> -> memref<8xi32, #tpu.memory_space<vmem>>
      %dma_wait3A_501 = arith.constant 0 : i32
      %dma_wait3A_502 = arith.constant 0 : i32
      %dma_wait3A_503 = tpu.memref_slice %arg2[%dma_wait3A_501, %dma_wait3A_502] : memref<1200x512xf32, #tpu.memory_space<hbm>> -> memref<1200x512xf32, #tpu.memory_space<hbm>>
      tpu.wait_indirect_dma semaphore(%arg23 : memref<!tpu.dma_semaphore, #tpu.memory_space<semaphore_mem>>) src(%dma_wait3A_503 : memref<1200x512xf32, #tpu.memory_space<hbm>>) dst(%dma_wait3A_499 : memref<8x512xf32, #tpu.memory_space<vmem>>)
      %mul3A_504 = arith.constant 8 : i32
      %mul3A_505 = arith.muli %add3A_485, %mul3A_504 : i32
      %add3A_506 = arith.addi %mul3A_2, %mul3A_505 : i32
      %multiple_of3A_507 = tpu.assume_multiple %add3A_506, 8 : i32
      %dma_start3A_508 = arith.constant 0 : i32
      %dma_start3A_509 = tpu.memref_slice %arg5[%multiple_of3A_507, %dma_start3A_508] : memref<32768x1024xf32, #tpu.memory_space<hbm>> -> memref<8x1024xf32, #tpu.memory_space<hbm>>
      %dma_start3A_510 = arith.constant 0 : i32
      %dma_start3A_511 = tpu.memref_slice %arg5[%multiple_of3A_507, %dma_start3A_510] : memref<32768x1024xf32, #tpu.memory_space<hbm>> -> memref<8x1024xf32, #tpu.memory_space<hbm>>
      tpu.enqueue_dma source(%arg15 : memref<8x1024xf32, #tpu.memory_space<vmem>>) target(%dma_start3A_511 : memref<8x1024xf32, #tpu.memory_space<hbm>>) target_semaphore(%arg31 : memref<!tpu.dma_semaphore, #tpu.memory_space<semaphore_mem>>)
      %sub3A_512 = arith.constant 4 : i32
      %sub3A_513 = arith.subi %add3A_485, %sub3A_512 : i32
      %mul3A_514 = arith.constant 8 : i32
      %mul3A_515 = arith.muli %sub3A_513, %mul3A_514 : i32
      %add3A_516 = arith.addi %mul3A_2, %mul3A_515 : i32
      %multiple_of3A_517 = tpu.assume_multiple %add3A_516, 8 : i32
      %dma_wait3A_518 = arith.constant 0 : i32
      %dma_wait3A_519 = tpu.memref_slice %arg5[%multiple_of3A_517, %dma_wait3A_518] : memref<32768x1024xf32, #tpu.memory_space<hbm>> -> memref<8x1024xf32, #tpu.memory_space<hbm>>
      %dma_wait3A_520 = arith.constant 0 : i32
      %dma_wait3A_521 = tpu.memref_slice %arg5[%multiple_of3A_517, %dma_wait3A_520] : memref<32768x1024xf32, #tpu.memory_space<hbm>> -> memref<8x1024xf32, #tpu.memory_space<hbm>>
      tpu.wait_dma2 semaphore(%arg27 : memref<!tpu.dma_semaphore, #tpu.memory_space<semaphore_mem>>) src(%arg11 : memref<8x1024xf32, #tpu.memory_space<vmem>>) dst(%dma_wait3A_521 : memref<8x1024xf32, #tpu.memory_space<hbm>>)
      %lt3A_522 = arith.constant 15 : i32
      %lt3A_523 = arith.cmpi slt, %scan3A_129, %lt3A_522 : i32
      %convert_element_type3A_524 = arith.extui %lt3A_523 : i1 to i32
      %cond3A_525 = arith.constant 0 : i32
      %cond3A_526 = arith.cmpi ne, %convert_element_type3A_524, %cond3A_525 : i32
      scf.if %cond3A_526 {
        %add3A_527 = arith.constant 4 : i32
        %add3A_528 = arith.addi %add3A_485, %add3A_527 : i32
        %mul3A_529 = arith.constant 8 : i32
        %mul3A_530 = arith.muli %add3A_528, %mul3A_529 : i32
        %dma_start3A_531 = arith.constant 0 : i32
        %dma_start3A_532 = arith.constant 0 : i32
        %dma_start3A_533 = tpu.memref_slice %arg11[%dma_start3A_531, %dma_start3A_532] : memref<8x1024xf32, #tpu.memory_space<vmem>> -> memref<8x512xf32, #tpu.memory_space<vmem>>
        %dma_start3A_534 = tpu.memref_slice %arg6[%mul3A_530] : memref<1024xi32, #tpu.memory_space<vmem>> -> memref<8xi32, #tpu.memory_space<vmem>>
        %dma_start3A_535 = arith.constant 0 : i32
        %dma_start3A_536 = arith.constant 0 : i32
        %dma_start3A_537 = tpu.memref_slice %arg2[%dma_start3A_535, %dma_start3A_536] : memref<1200x512xf32, #tpu.memory_space<hbm>> -> memref<1200x512xf32, #tpu.memory_space<hbm>>
        tpu.enqueue_indirect_dma source(%dma_start3A_537 : memref<1200x512xf32, #tpu.memory_space<hbm>>) target(%dma_start3A_533 : memref<8x512xf32, #tpu.memory_space<vmem>>) offsets(%dma_start3A_534 : memref<8xi32, #tpu.memory_space<vmem>>) semaphore(%arg19 : memref<!tpu.dma_semaphore, #tpu.memory_space<semaphore_mem>>)
        %mul3A_538 = arith.constant 8 : i32
        %mul3A_539 = arith.muli %add3A_528, %mul3A_538 : i32
        %dma_start3A_540 = arith.constant 0 : i32
        %dma_start3A_541 = arith.constant 512 : i32
        %dma_start3A_542 = tpu.memref_slice %arg11[%dma_start3A_540, %dma_start3A_541] : memref<8x1024xf32, #tpu.memory_space<vmem>> -> memref<8x512xf32, #tpu.memory_space<vmem>>
        %dma_start3A_543 = tpu.memref_slice %arg7[%mul3A_539] : memref<1024xi32, #tpu.memory_space<vmem>> -> memref<8xi32, #tpu.memory_space<vmem>>
        %dma_start3A_544 = arith.constant 0 : i32
        %dma_start3A_545 = arith.constant 0 : i32
        %dma_start3A_546 = tpu.memref_slice %arg2[%dma_start3A_544, %dma_start3A_545] : memref<1200x512xf32, #tpu.memory_space<hbm>> -> memref<1200x512xf32, #tpu.memory_space<hbm>>
        tpu.enqueue_indirect_dma source(%dma_start3A_546 : memref<1200x512xf32, #tpu.memory_space<hbm>>) target(%dma_start3A_542 : memref<8x512xf32, #tpu.memory_space<vmem>>) offsets(%dma_start3A_543 : memref<8xi32, #tpu.memory_space<vmem>>) semaphore(%arg19 : memref<!tpu.dma_semaphore, #tpu.memory_space<semaphore_mem>>)
      } else {
      }
    }
    %scan3A_102 = arith.constant 16 : i32
    %add3A_103 = arith.constant 992 : i32
    %add3A_104 = arith.addi %mul3A_2, %add3A_103 : i32
    %multiple_of3A = tpu.assume_multiple %add3A_104, 8 : i32
    %dma_wait3A = arith.constant 0 : i32
    %dma_wait3A_105 = tpu.memref_slice %arg5[%multiple_of3A, %dma_wait3A] : memref<32768x1024xf32, #tpu.memory_space<hbm>> -> memref<8x1024xf32, #tpu.memory_space<hbm>>
    %dma_wait3A_106 = arith.constant 0 : i32
    %dma_wait3A_107 = tpu.memref_slice %arg5[%multiple_of3A, %dma_wait3A_106] : memref<32768x1024xf32, #tpu.memory_space<hbm>> -> memref<8x1024xf32, #tpu.memory_space<hbm>>
    tpu.wait_dma2 semaphore(%arg28 : memref<!tpu.dma_semaphore, #tpu.memory_space<semaphore_mem>>) src(%arg12 : memref<8x1024xf32, #tpu.memory_space<vmem>>) dst(%dma_wait3A_107 : memref<8x1024xf32, #tpu.memory_space<hbm>>)
    %add3A_108 = arith.constant 1000 : i32
    %add3A_109 = arith.addi %mul3A_2, %add3A_108 : i32
    %multiple_of3A_110 = tpu.assume_multiple %add3A_109, 8 : i32
    %dma_wait3A_111 = arith.constant 0 : i32
    %dma_wait3A_112 = tpu.memref_slice %arg5[%multiple_of3A_110, %dma_wait3A_111] : memref<32768x1024xf32, #tpu.memory_space<hbm>> -> memref<8x1024xf32, #tpu.memory_space<hbm>>
    %dma_wait3A_113 = arith.constant 0 : i32
    %dma_wait3A_114 = tpu.memref_slice %arg5[%multiple_of3A_110, %dma_wait3A_113] : memref<32768x1024xf32, #tpu.memory_space<hbm>> -> memref<8x1024xf32, #tpu.memory_space<hbm>>
    tpu.wait_dma2 semaphore(%arg29 : memref<!tpu.dma_semaphore, #tpu.memory_space<semaphore_mem>>) src(%arg13 : memref<8x1024xf32, #tpu.memory_space<vmem>>) dst(%dma_wait3A_114 : memref<8x1024xf32, #tpu.memory_space<hbm>>)
    %add3A_115 = arith.constant 1008 : i32
    %add3A_116 = arith.addi %mul3A_2, %add3A_115 : i32
    %multiple_of3A_117 = tpu.assume_multiple %add3A_116, 8 : i32
    %dma_wait3A_118 = arith.constant 0 : i32
    %dma_wait3A_119 = tpu.memref_slice %arg5[%multiple_of3A_117, %dma_wait3A_118] : memref<32768x1024xf32, #tpu.memory_space<hbm>> -> memref<8x1024xf32, #tpu.memory_space<hbm>>
    %dma_wait3A_120 = arith.constant 0 : i32
    %dma_wait3A_121 = tpu.memref_slice %arg5[%multiple_of3A_117, %dma_wait3A_120] : memref<32768x1024xf32, #tpu.memory_space<hbm>> -> memref<8x1024xf32, #tpu.memory_space<hbm>>
    tpu.wait_dma2 semaphore(%arg30 : memref<!tpu.dma_semaphore, #tpu.memory_space<semaphore_mem>>) src(%arg14 : memref<8x1024xf32, #tpu.memory_space<vmem>>) dst(%dma_wait3A_121 : memref<8x1024xf32, #tpu.memory_space<hbm>>)
    %add3A_122 = arith.constant 1016 : i32
    %add3A_123 = arith.addi %mul3A_2, %add3A_122 : i32
    %multiple_of3A_124 = tpu.assume_multiple %add3A_123, 8 : i32
    %dma_wait3A_125 = arith.constant 0 : i32
    %dma_wait3A_126 = tpu.memref_slice %arg5[%multiple_of3A_124, %dma_wait3A_125] : memref<32768x1024xf32, #tpu.memory_space<hbm>> -> memref<8x1024xf32, #tpu.memory_space<hbm>>
    %dma_wait3A_127 = arith.constant 0 : i32
    %dma_wait3A_128 = tpu.memref_slice %arg5[%multiple_of3A_124, %dma_wait3A_127] : memref<32768x1024xf32, #tpu.memory_space<hbm>> -> memref<8x1024xf32, #tpu.memory_space<hbm>>
    tpu.wait_dma2 semaphore(%arg31 : memref<!tpu.dma_semaphore, #tpu.memory_space<semaphore_mem>>) src(%arg15 : memref<8x1024xf32, #tpu.memory_space<vmem>>) dst(%dma_wait3A_128 : memref<8x1024xf32, #tpu.memory_space<hbm>>)
    return
  }
}

module attributes {stable_mosaic.version = 14 : i64} {
  func.func @_prep_body(%arg0: memref<10x1024xf32, #tpu.memory_space<vmem>>, %arg1: memref<2x1024xf32, #tpu.memory_space<vmem>>, %arg2: memref<30x512xf32, #tpu.memory_space<vmem>>, %arg3: memref<30x512xf32, #tpu.memory_space<vmem>>, %arg4: memref<1x1xf32, #tpu.memory_space<vmem>>, %arg5: memref<1x1xf32, #tpu.memory_space<vmem>>, %arg6: memref<1x4xf32, #tpu.memory_space<vmem>>, %arg7: memref<4x8192xi32, #tpu.memory_space<vmem>>, %arg8: memref<4x8192xi32, #tpu.memory_space<vmem>>, %arg9: memref<4x8192xi32, #tpu.memory_space<vmem>>, %arg10: memref<4x8192xi32, #tpu.memory_space<vmem>>, %arg11: memref<1200x512xf32, #tpu.memory_space<vmem>>, %arg12: memref<4x8192xi32, #tpu.memory_space<vmem>>, %arg13: memref<4x8192xi32, #tpu.memory_space<vmem>>) attributes {dimension_semantics = [], scalar_prefetch = 0 : i64, scratch_operands = 0 : i64, tpu.core_type = #tpu.core_type<tc>} {
    %get3A = arith.constant 0 : index
    %get3A_0 = arith.constant 0 : index
    %get3A_1 = vector.load %arg6[%get3A, %get3A_0] : memref<1x4xf32, #tpu.memory_space<vmem>>, vector<1x4xf32>
    %reduce_max3A = vector.shape_cast %get3A_1 : vector<1x4xf32> to vector<1x1x4xf32>
    %reduce_max3A_2 = arith.constant dense<0xFF800000> : vector<1xf32>
    %reduce_max3A_3 = vector.multi_reduction <maximumf>, %reduce_max3A, %reduce_max3A_2 [1, 2] : vector<1x1x4xf32> to vector<1xf32>
    %reduce_max3A_4 = vector.shape_cast %reduce_max3A_3 : vector<1xf32> to vector<1x1x1xf32>
    %reduce_max3A_5 = vector.extract %reduce_max3A_4[0, 0, 0] : f32 from vector<1x1x1xf32>
    %sub3A = vector.broadcast %reduce_max3A_5 : f32 to vector<1x4xf32>
    %sub3A_6 = arith.subf %get3A_1, %sub3A : vector<1x4xf32>
    %exp3A = math.exp %sub3A_6 : vector<1x4xf32>
    %reduce_sum3A = vector.shape_cast %exp3A : vector<1x4xf32> to vector<1x1x4xf32>
    %reduce_sum3A_7 = arith.constant dense<0.000000e+00> : vector<1xf32>
    %reduce_sum3A_8 = vector.multi_reduction <add>, %reduce_sum3A, %reduce_sum3A_7 [1, 2] : vector<1x1x4xf32> to vector<1xf32>
    %reduce_sum3A_9 = vector.shape_cast %reduce_sum3A_8 : vector<1xf32> to vector<1x1x1xf32>
    %reduce_sum3A_10 = vector.extract %reduce_sum3A_9[0, 0, 0] : f32 from vector<1x1x1xf32>
    %div3A = vector.broadcast %reduce_sum3A_10 : f32 to vector<1x4xf32>
    %div3A_11 = arith.divf %exp3A, %div3A : vector<1x4xf32>
    %slice3A = vector.extract_strided_slice %div3A_11 {offsets = [0, 0], sizes = [1, 1], strides = [1, 1]} : vector<1x4xf32> to vector<1x1xf32>
    %squeeze3A = vector.extract %slice3A[0, 0] : f32 from vector<1x1xf32>
    %slice3A_12 = vector.extract_strided_slice %div3A_11 {offsets = [0, 1], sizes = [1, 1], strides = [1, 1]} : vector<1x4xf32> to vector<1x1xf32>
    %squeeze3A_13 = vector.extract %slice3A_12[0, 0] : f32 from vector<1x1xf32>
    %get3A_14 = arith.constant 0 : index
    %get3A_15 = arith.constant 0 : index
    %get3A_16 = vector.load %arg4[%get3A_14, %get3A_15] : memref<1x1xf32, #tpu.memory_space<vmem>>, vector<1x1xf32>
    %get3A_17 = vector.extract %get3A_16[0, 0] : f32 from vector<1x1xf32>
    %mul3A = arith.mulf %squeeze3A, %get3A_17 : f32
    %get3A_18 = arith.constant 0 : index
    %get3A_19 = arith.constant 0 : index
    %get3A_20 = vector.load %arg5[%get3A_18, %get3A_19] : memref<1x1xf32, #tpu.memory_space<vmem>>, vector<1x1xf32>
    %get3A_21 = vector.extract %get3A_20[0, 0] : f32 from vector<1x1xf32>
    %mul3A_22 = arith.mulf %squeeze3A, %get3A_21 : f32
    %get3A_23 = arith.constant 0 : index
    %get3A_24 = arith.constant 0 : index
    %get3A_25 = vector.load %arg0[%get3A_23, %get3A_24] : memref<10x1024xf32, #tpu.memory_space<vmem>>, vector<10x1024xf32>
    %mul3A_26 = arith.mulf %get3A_25, %get3A_25 : vector<10x1024xf32>
    %reduce_sum3A_27 = arith.constant dense<0.000000e+00> : vector<10xf32>
    %reduce_sum3A_28 = vector.multi_reduction <add>, %mul3A_26, %reduce_sum3A_27 [1] : vector<10x1024xf32> to vector<10xf32>
    %broadcast_in_dim3A = vector.shape_cast %reduce_sum3A_28 : vector<10xf32> to vector<10x1xf32>
    %sqrt3A = math.sqrt %broadcast_in_dim3A : vector<10x1xf32>
    %max3A = arith.constant 9.99999996E-13 : f32
    %max3A_29 = vector.broadcast %max3A : f32 to vector<10x1xf32>
    %max3A_30 = arith.maximumf %sqrt3A, %max3A_29 : vector<10x1xf32>
    %div3A_31 = vector.broadcast %max3A_30 : vector<10x1xf32> to vector<10x1024xf32>
    %div3A_32 = arith.divf %get3A_25, %div3A_31 : vector<10x1024xf32>
    %mul3A_33 = vector.broadcast %mul3A : f32 to vector<10x1024xf32>
    %mul3A_34 = arith.mulf %mul3A_33, %div3A_32 : vector<10x1024xf32>
    %get3A_35 = arith.constant 0 : index
    %get3A_36 = arith.constant 0 : index
    %get3A_37 = vector.load %arg1[%get3A_35, %get3A_36] : memref<2x1024xf32, #tpu.memory_space<vmem>>, vector<2x1024xf32>
    %mul3A_38 = arith.mulf %get3A_37, %get3A_37 : vector<2x1024xf32>
    %reduce_sum3A_39 = arith.constant dense<0.000000e+00> : vector<2xf32>
    %reduce_sum3A_40 = vector.multi_reduction <add>, %mul3A_38, %reduce_sum3A_39 [1] : vector<2x1024xf32> to vector<2xf32>
    %broadcast_in_dim3A_41 = vector.shape_cast %reduce_sum3A_40 : vector<2xf32> to vector<2x1xf32>
    %sqrt3A_42 = math.sqrt %broadcast_in_dim3A_41 : vector<2x1xf32>
    %max3A_43 = arith.constant 9.99999996E-13 : f32
    %max3A_44 = vector.broadcast %max3A_43 : f32 to vector<2x1xf32>
    %max3A_45 = arith.maximumf %sqrt3A_42, %max3A_44 : vector<2x1xf32>
    %div3A_46 = vector.broadcast %max3A_45 : vector<2x1xf32> to vector<2x1024xf32>
    %div3A_47 = arith.divf %get3A_37, %div3A_46 : vector<2x1024xf32>
    %mul3A_48 = vector.broadcast %mul3A_22 : f32 to vector<2x1024xf32>
    %mul3A_49 = arith.mulf %mul3A_48, %div3A_47 : vector<2x1024xf32>
    %get3A_50 = arith.constant 0 : index
    %get3A_51 = arith.constant 0 : index
    %get3A_52 = vector.load %arg2[%get3A_50, %get3A_51] : memref<30x512xf32, #tpu.memory_space<vmem>>, vector<30x512xf32>
    %mul3A_53 = vector.broadcast %squeeze3A_13 : f32 to vector<30x512xf32>
    %mul3A_54 = arith.mulf %mul3A_53, %get3A_52 : vector<30x512xf32>
    %get3A_55 = arith.constant 0 : index
    %get3A_56 = arith.constant 0 : index
    %get3A_57 = vector.load %arg3[%get3A_55, %get3A_56] : memref<30x512xf32, #tpu.memory_space<vmem>>, vector<30x512xf32>
    %mul3A_58 = vector.broadcast %squeeze3A_13 : f32 to vector<30x512xf32>
    %mul3A_59 = arith.mulf %mul3A_58, %get3A_57 : vector<30x512xf32>
    %slice3A_60 = vector.extract_strided_slice %mul3A_34 {offsets = [0, 0], sizes = [1, 512], strides = [1, 1]} : vector<10x1024xf32> to vector<1x512xf32>
    %squeeze3A_61 = vector.shape_cast %slice3A_60 : vector<1x512xf32> to vector<512xf32>
    %slice3A_62 = vector.extract_strided_slice %mul3A_49 {offsets = [0, 0], sizes = [1, 512], strides = [1, 1]} : vector<2x1024xf32> to vector<1x512xf32>
    %squeeze3A_63 = vector.shape_cast %slice3A_62 : vector<1x512xf32> to vector<512xf32>
    %add3A = arith.addf %squeeze3A_61, %squeeze3A_63 : vector<512xf32>
    %broadcast_in_dim3A_64 = vector.shape_cast %add3A : vector<512xf32> to vector<1x512xf32>
    %slice3A_65 = vector.extract_strided_slice %mul3A_34 {offsets = [0, 512], sizes = [1, 512], strides = [1, 1]} : vector<10x1024xf32> to vector<1x512xf32>
    %squeeze3A_66 = vector.shape_cast %slice3A_65 : vector<1x512xf32> to vector<512xf32>
    %slice3A_67 = vector.extract_strided_slice %mul3A_49 {offsets = [0, 512], sizes = [1, 512], strides = [1, 1]} : vector<2x1024xf32> to vector<1x512xf32>
    %squeeze3A_68 = vector.shape_cast %slice3A_67 : vector<1x512xf32> to vector<512xf32>
    %add3A_69 = arith.addf %squeeze3A_66, %squeeze3A_68 : vector<512xf32>
    %broadcast_in_dim3A_70 = vector.shape_cast %add3A_69 : vector<512xf32> to vector<1x512xf32>
    %add3A_71 = vector.broadcast %broadcast_in_dim3A_64 : vector<1x512xf32> to vector<30x512xf32>
    %add3A_72 = arith.addf %add3A_71, %mul3A_54 : vector<30x512xf32>
    %swap3A = arith.constant 0 : index
    %swap3A_73 = arith.constant 0 : index
    %swap3A_74 = vector.load %arg11[%swap3A, %swap3A_73] : memref<1200x512xf32, #tpu.memory_space<vmem>>, vector<30x512xf32>
    tpu.vector_store %arg11[%swap3A, %swap3A_73], %add3A_72 {strides = array<i32>} : memref<1200x512xf32, #tpu.memory_space<vmem>>, vector<30x512xf32>,
    %add3A_75 = vector.broadcast %broadcast_in_dim3A_70 : vector<1x512xf32> to vector<30x512xf32>
    %add3A_76 = arith.addf %add3A_75, %mul3A_59 : vector<30x512xf32>
    %swap3A_77 = arith.constant 600 : index
    %swap3A_78 = arith.constant 0 : index
    %swap3A_79 = vector.load %arg11[%swap3A_77, %swap3A_78] : memref<1200x512xf32, #tpu.memory_space<vmem>>, vector<30x512xf32>
    tpu.vector_store %arg11[%swap3A_77, %swap3A_78], %add3A_76 {strides = array<i32>} : memref<1200x512xf32, #tpu.memory_space<vmem>>, vector<30x512xf32>,
    %slice3A_80 = vector.extract_strided_slice %mul3A_34 {offsets = [0, 0], sizes = [1, 512], strides = [1, 1]} : vector<10x1024xf32> to vector<1x512xf32>
    %squeeze3A_81 = vector.shape_cast %slice3A_80 : vector<1x512xf32> to vector<512xf32>
    %slice3A_82 = vector.extract_strided_slice %mul3A_49 {offsets = [1, 0], sizes = [1, 512], strides = [1, 1]} : vector<2x1024xf32> to vector<1x512xf32>
    %squeeze3A_83 = vector.shape_cast %slice3A_82 : vector<1x512xf32> to vector<512xf32>
    %add3A_84 = arith.addf %squeeze3A_81, %squeeze3A_83 : vector<512xf32>
    %broadcast_in_dim3A_85 = vector.shape_cast %add3A_84 : vector<512xf32> to vector<1x512xf32>
    %slice3A_86 = vector.extract_strided_slice %mul3A_34 {offsets = [0, 512], sizes = [1, 512], strides = [1, 1]} : vector<10x1024xf32> to vector<1x512xf32>
    %squeeze3A_87 = vector.shape_cast %slice3A_86 : vector<1x512xf32> to vector<512xf32>
    %slice3A_88 = vector.extract_strided_slice %mul3A_49 {offsets = [1, 512], sizes = [1, 512], strides = [1, 1]} : vector<2x1024xf32> to vector<1x512xf32>
    %squeeze3A_89 = vector.shape_cast %slice3A_88 : vector<1x512xf32> to vector<512xf32>
    %add3A_90 = arith.addf %squeeze3A_87, %squeeze3A_89 : vector<512xf32>
    %broadcast_in_dim3A_91 = vector.shape_cast %add3A_90 : vector<512xf32> to vector<1x512xf32>
    %add3A_92 = vector.broadcast %broadcast_in_dim3A_85 : vector<1x512xf32> to vector<30x512xf32>
    %add3A_93 = arith.addf %add3A_92, %mul3A_54 : vector<30x512xf32>
    %swap3A_94 = arith.constant 30 : index
    %swap3A_95 = arith.constant 0 : index
    %swap3A_96 = vector.load %arg11[%swap3A_94, %swap3A_95] : memref<1200x512xf32, #tpu.memory_space<vmem>>, vector<30x512xf32>
    tpu.vector_store %arg11[%swap3A_94, %swap3A_95], %add3A_93 {strides = array<i32>} : memref<1200x512xf32, #tpu.memory_space<vmem>>, vector<30x512xf32>,
    %add3A_97 = vector.broadcast %broadcast_in_dim3A_91 : vector<1x512xf32> to vector<30x512xf32>
    %add3A_98 = arith.addf %add3A_97, %mul3A_59 : vector<30x512xf32>
    %swap3A_99 = arith.constant 630 : index
    %swap3A_100 = arith.constant 0 : index
    %swap3A_101 = vector.load %arg11[%swap3A_99, %swap3A_100] : memref<1200x512xf32, #tpu.memory_space<vmem>>, vector<30x512xf32>
    tpu.vector_store %arg11[%swap3A_99, %swap3A_100], %add3A_98 {strides = array<i32>} : memref<1200x512xf32, #tpu.memory_space<vmem>>, vector<30x512xf32>,
    %slice3A_102 = vector.extract_strided_slice %mul3A_34 {offsets = [1, 0], sizes = [1, 512], strides = [1, 1]} : vector<10x1024xf32> to vector<1x512xf32>
    %squeeze3A_103 = vector.shape_cast %slice3A_102 : vector<1x512xf32> to vector<512xf32>
    %slice3A_104 = vector.extract_strided_slice %mul3A_49 {offsets = [0, 0], sizes = [1, 512], strides = [1, 1]} : vector<2x1024xf32> to vector<1x512xf32>
    %squeeze3A_105 = vector.shape_cast %slice3A_104 : vector<1x512xf32> to vector<512xf32>
    %add3A_106 = arith.addf %squeeze3A_103, %squeeze3A_105 : vector<512xf32>
    %broadcast_in_dim3A_107 = vector.shape_cast %add3A_106 : vector<512xf32> to vector<1x512xf32>
    %slice3A_108 = vector.extract_strided_slice %mul3A_34 {offsets = [1, 512], sizes = [1, 512], strides = [1, 1]} : vector<10x1024xf32> to vector<1x512xf32>
    %squeeze3A_109 = vector.shape_cast %slice3A_108 : vector<1x512xf32> to vector<512xf32>
    %slice3A_110 = vector.extract_strided_slice %mul3A_49 {offsets = [0, 512], sizes = [1, 512], strides = [1, 1]} : vector<2x1024xf32> to vector<1x512xf32>
    %squeeze3A_111 = vector.shape_cast %slice3A_110 : vector<1x512xf32> to vector<512xf32>
    %add3A_112 = arith.addf %squeeze3A_109, %squeeze3A_111 : vector<512xf32>
    %broadcast_in_dim3A_113 = vector.shape_cast %add3A_112 : vector<512xf32> to vector<1x512xf32>
    %add3A_114 = vector.broadcast %broadcast_in_dim3A_107 : vector<1x512xf32> to vector<30x512xf32>
    %add3A_115 = arith.addf %add3A_114, %mul3A_54 : vector<30x512xf32>
    %swap3A_116 = arith.constant 60 : index
    %swap3A_117 = arith.constant 0 : index
    %swap3A_118 = vector.load %arg11[%swap3A_116, %swap3A_117] : memref<1200x512xf32, #tpu.memory_space<vmem>>, vector<30x512xf32>
    tpu.vector_store %arg11[%swap3A_116, %swap3A_117], %add3A_115 {strides = array<i32>} : memref<1200x512xf32, #tpu.memory_space<vmem>>, vector<30x512xf32>,
    %add3A_119 = vector.broadcast %broadcast_in_dim3A_113 : vector<1x512xf32> to vector<30x512xf32>
    %add3A_120 = arith.addf %add3A_119, %mul3A_59 : vector<30x512xf32>
    %swap3A_121 = arith.constant 660 : index
    %swap3A_122 = arith.constant 0 : index
    %swap3A_123 = vector.load %arg11[%swap3A_121, %swap3A_122] : memref<1200x512xf32, #tpu.memory_space<vmem>>, vector<30x512xf32>
    tpu.vector_store %arg11[%swap3A_121, %swap3A_122], %add3A_120 {strides = array<i32>} : memref<1200x512xf32, #tpu.memory_space<vmem>>, vector<30x512xf32>,
    %slice3A_124 = vector.extract_strided_slice %mul3A_34 {offsets = [1, 0], sizes = [1, 512], strides = [1, 1]} : vector<10x1024xf32> to vector<1x512xf32>
    %squeeze3A_125 = vector.shape_cast %slice3A_124 : vector<1x512xf32> to vector<512xf32>
    %slice3A_126 = vector.extract_strided_slice %mul3A_49 {offsets = [1, 0], sizes = [1, 512], strides = [1, 1]} : vector<2x1024xf32> to vector<1x512xf32>
    %squeeze3A_127 = vector.shape_cast %slice3A_126 : vector<1x512xf32> to vector<512xf32>
    %add3A_128 = arith.addf %squeeze3A_125, %squeeze3A_127 : vector<512xf32>
    %broadcast_in_dim3A_129 = vector.shape_cast %add3A_128 : vector<512xf32> to vector<1x512xf32>
    %slice3A_130 = vector.extract_strided_slice %mul3A_34 {offsets = [1, 512], sizes = [1, 512], strides = [1, 1]} : vector<10x1024xf32> to vector<1x512xf32>
    %squeeze3A_131 = vector.shape_cast %slice3A_130 : vector<1x512xf32> to vector<512xf32>
    %slice3A_132 = vector.extract_strided_slice %mul3A_49 {offsets = [1, 512], sizes = [1, 512], strides = [1, 1]} : vector<2x1024xf32> to vector<1x512xf32>
    %squeeze3A_133 = vector.shape_cast %slice3A_132 : vector<1x512xf32> to vector<512xf32>
    %add3A_134 = arith.addf %squeeze3A_131, %squeeze3A_133 : vector<512xf32>
    %broadcast_in_dim3A_135 = vector.shape_cast %add3A_134 : vector<512xf32> to vector<1x512xf32>
    %add3A_136 = vector.broadcast %broadcast_in_dim3A_129 : vector<1x512xf32> to vector<30x512xf32>
    %add3A_137 = arith.addf %add3A_136, %mul3A_54 : vector<30x512xf32>
    %swap3A_138 = arith.constant 90 : index
    %swap3A_139 = arith.constant 0 : index
    %swap3A_140 = vector.load %arg11[%swap3A_138, %swap3A_139] : memref<1200x512xf32, #tpu.memory_space<vmem>>, vector<30x512xf32>
    tpu.vector_store %arg11[%swap3A_138, %swap3A_139], %add3A_137 {strides = array<i32>} : memref<1200x512xf32, #tpu.memory_space<vmem>>, vector<30x512xf32>,
    %add3A_141 = vector.broadcast %broadcast_in_dim3A_135 : vector<1x512xf32> to vector<30x512xf32>
    %add3A_142 = arith.addf %add3A_141, %mul3A_59 : vector<30x512xf32>
    %swap3A_143 = arith.constant 690 : index
    %swap3A_144 = arith.constant 0 : index
    %swap3A_145 = vector.load %arg11[%swap3A_143, %swap3A_144] : memref<1200x512xf32, #tpu.memory_space<vmem>>, vector<30x512xf32>
    tpu.vector_store %arg11[%swap3A_143, %swap3A_144], %add3A_142 {strides = array<i32>} : memref<1200x512xf32, #tpu.memory_space<vmem>>, vector<30x512xf32>,
    %slice3A_146 = vector.extract_strided_slice %mul3A_34 {offsets = [2, 0], sizes = [1, 512], strides = [1, 1]} : vector<10x1024xf32> to vector<1x512xf32>
    %squeeze3A_147 = vector.shape_cast %slice3A_146 : vector<1x512xf32> to vector<512xf32>
    %slice3A_148 = vector.extract_strided_slice %mul3A_49 {offsets = [0, 0], sizes = [1, 512], strides = [1, 1]} : vector<2x1024xf32> to vector<1x512xf32>
    %squeeze3A_149 = vector.shape_cast %slice3A_148 : vector<1x512xf32> to vector<512xf32>
    %add3A_150 = arith.addf %squeeze3A_147, %squeeze3A_149 : vector<512xf32>
    %broadcast_in_dim3A_151 = vector.shape_cast %add3A_150 : vector<512xf32> to vector<1x512xf32>
    %slice3A_152 = vector.extract_strided_slice %mul3A_34 {offsets = [2, 512], sizes = [1, 512], strides = [1, 1]} : vector<10x1024xf32> to vector<1x512xf32>
    %squeeze3A_153 = vector.shape_cast %slice3A_152 : vector<1x512xf32> to vector<512xf32>
    %slice3A_154 = vector.extract_strided_slice %mul3A_49 {offsets = [0, 512], sizes = [1, 512], strides = [1, 1]} : vector<2x1024xf32> to vector<1x512xf32>
    %squeeze3A_155 = vector.shape_cast %slice3A_154 : vector<1x512xf32> to vector<512xf32>
    %add3A_156 = arith.addf %squeeze3A_153, %squeeze3A_155 : vector<512xf32>
    %broadcast_in_dim3A_157 = vector.shape_cast %add3A_156 : vector<512xf32> to vector<1x512xf32>
    %add3A_158 = vector.broadcast %broadcast_in_dim3A_151 : vector<1x512xf32> to vector<30x512xf32>
    %add3A_159 = arith.addf %add3A_158, %mul3A_54 : vector<30x512xf32>
    %swap3A_160 = arith.constant 120 : index
    %swap3A_161 = arith.constant 0 : index
    %swap3A_162 = vector.load %arg11[%swap3A_160, %swap3A_161] : memref<1200x512xf32, #tpu.memory_space<vmem>>, vector<30x512xf32>
    tpu.vector_store %arg11[%swap3A_160, %swap3A_161], %add3A_159 {strides = array<i32>} : memref<1200x512xf32, #tpu.memory_space<vmem>>, vector<30x512xf32>,
    %add3A_163 = vector.broadcast %broadcast_in_dim3A_157 : vector<1x512xf32> to vector<30x512xf32>
    %add3A_164 = arith.addf %add3A_163, %mul3A_59 : vector<30x512xf32>
    %swap3A_165 = arith.constant 720 : index
    %swap3A_166 = arith.constant 0 : index
    %swap3A_167 = vector.load %arg11[%swap3A_165, %swap3A_166] : memref<1200x512xf32, #tpu.memory_space<vmem>>, vector<30x512xf32>
    tpu.vector_store %arg11[%swap3A_165, %swap3A_166], %add3A_164 {strides = array<i32>} : memref<1200x512xf32, #tpu.memory_space<vmem>>, vector<30x512xf32>,
    %slice3A_168 = vector.extract_strided_slice %mul3A_34 {offsets = [2, 0], sizes = [1, 512], strides = [1, 1]} : vector<10x1024xf32> to vector<1x512xf32>
    %squeeze3A_169 = vector.shape_cast %slice3A_168 : vector<1x512xf32> to vector<512xf32>
    %slice3A_170 = vector.extract_strided_slice %mul3A_49 {offsets = [1, 0], sizes = [1, 512], strides = [1, 1]} : vector<2x1024xf32> to vector<1x512xf32>
    %squeeze3A_171 = vector.shape_cast %slice3A_170 : vector<1x512xf32> to vector<512xf32>
    %add3A_172 = arith.addf %squeeze3A_169, %squeeze3A_171 : vector<512xf32>
    %broadcast_in_dim3A_173 = vector.shape_cast %add3A_172 : vector<512xf32> to vector<1x512xf32>
    %slice3A_174 = vector.extract_strided_slice %mul3A_34 {offsets = [2, 512], sizes = [1, 512], strides = [1, 1]} : vector<10x1024xf32> to vector<1x512xf32>
    %squeeze3A_175 = vector.shape_cast %slice3A_174 : vector<1x512xf32> to vector<512xf32>
    %slice3A_176 = vector.extract_strided_slice %mul3A_49 {offsets = [1, 512], sizes = [1, 512], strides = [1, 1]} : vector<2x1024xf32> to vector<1x512xf32>
    %squeeze3A_177 = vector.shape_cast %slice3A_176 : vector<1x512xf32> to vector<512xf32>
    %add3A_178 = arith.addf %squeeze3A_175, %squeeze3A_177 : vector<512xf32>
    %broadcast_in_dim3A_179 = vector.shape_cast %add3A_178 : vector<512xf32> to vector<1x512xf32>
    %add3A_180 = vector.broadcast %broadcast_in_dim3A_173 : vector<1x512xf32> to vector<30x512xf32>
    %add3A_181 = arith.addf %add3A_180, %mul3A_54 : vector<30x512xf32>
    %swap3A_182 = arith.constant 150 : index
    %swap3A_183 = arith.constant 0 : index
    %swap3A_184 = vector.load %arg11[%swap3A_182, %swap3A_183] : memref<1200x512xf32, #tpu.memory_space<vmem>>, vector<30x512xf32>
    tpu.vector_store %arg11[%swap3A_182, %swap3A_183], %add3A_181 {strides = array<i32>} : memref<1200x512xf32, #tpu.memory_space<vmem>>, vector<30x512xf32>,
    %add3A_185 = vector.broadcast %broadcast_in_dim3A_179 : vector<1x512xf32> to vector<30x512xf32>
    %add3A_186 = arith.addf %add3A_185, %mul3A_59 : vector<30x512xf32>
    %swap3A_187 = arith.constant 750 : index
    %swap3A_188 = arith.constant 0 : index
    %swap3A_189 = vector.load %arg11[%swap3A_187, %swap3A_188] : memref<1200x512xf32, #tpu.memory_space<vmem>>, vector<30x512xf32>
    tpu.vector_store %arg11[%swap3A_187, %swap3A_188], %add3A_186 {strides = array<i32>} : memref<1200x512xf32, #tpu.memory_space<vmem>>, vector<30x512xf32>,
    %slice3A_190 = vector.extract_strided_slice %mul3A_34 {offsets = [3, 0], sizes = [1, 512], strides = [1, 1]} : vector<10x1024xf32> to vector<1x512xf32>
    %squeeze3A_191 = vector.shape_cast %slice3A_190 : vector<1x512xf32> to vector<512xf32>
    %slice3A_192 = vector.extract_strided_slice %mul3A_49 {offsets = [0, 0], sizes = [1, 512], strides = [1, 1]} : vector<2x1024xf32> to vector<1x512xf32>
    %squeeze3A_193 = vector.shape_cast %slice3A_192 : vector<1x512xf32> to vector<512xf32>
    %add3A_194 = arith.addf %squeeze3A_191, %squeeze3A_193 : vector<512xf32>
    %broadcast_in_dim3A_195 = vector.shape_cast %add3A_194 : vector<512xf32> to vector<1x512xf32>
    %slice3A_196 = vector.extract_strided_slice %mul3A_34 {offsets = [3, 512], sizes = [1, 512], strides = [1, 1]} : vector<10x1024xf32> to vector<1x512xf32>
    %squeeze3A_197 = vector.shape_cast %slice3A_196 : vector<1x512xf32> to vector<512xf32>
    %slice3A_198 = vector.extract_strided_slice %mul3A_49 {offsets = [0, 512], sizes = [1, 512], strides = [1, 1]} : vector<2x1024xf32> to vector<1x512xf32>
    %squeeze3A_199 = vector.shape_cast %slice3A_198 : vector<1x512xf32> to vector<512xf32>
    %add3A_200 = arith.addf %squeeze3A_197, %squeeze3A_199 : vector<512xf32>
    %broadcast_in_dim3A_201 = vector.shape_cast %add3A_200 : vector<512xf32> to vector<1x512xf32>
    %add3A_202 = vector.broadcast %broadcast_in_dim3A_195 : vector<1x512xf32> to vector<30x512xf32>
    %add3A_203 = arith.addf %add3A_202, %mul3A_54 : vector<30x512xf32>
    %swap3A_204 = arith.constant 180 : index
    %swap3A_205 = arith.constant 0 : index
    %swap3A_206 = vector.load %arg11[%swap3A_204, %swap3A_205] : memref<1200x512xf32, #tpu.memory_space<vmem>>, vector<30x512xf32>
    tpu.vector_store %arg11[%swap3A_204, %swap3A_205], %add3A_203 {strides = array<i32>} : memref<1200x512xf32, #tpu.memory_space<vmem>>, vector<30x512xf32>,
    %add3A_207 = vector.broadcast %broadcast_in_dim3A_201 : vector<1x512xf32> to vector<30x512xf32>
    %add3A_208 = arith.addf %add3A_207, %mul3A_59 : vector<30x512xf32>
    %swap3A_209 = arith.constant 780 : index
    %swap3A_210 = arith.constant 0 : index
    %swap3A_211 = vector.load %arg11[%swap3A_209, %swap3A_210] : memref<1200x512xf32, #tpu.memory_space<vmem>>, vector<30x512xf32>
    tpu.vector_store %arg11[%swap3A_209, %swap3A_210], %add3A_208 {strides = array<i32>} : memref<1200x512xf32, #tpu.memory_space<vmem>>, vector<30x512xf32>,
    %slice3A_212 = vector.extract_strided_slice %mul3A_34 {offsets = [3, 0], sizes = [1, 512], strides = [1, 1]} : vector<10x1024xf32> to vector<1x512xf32>
    %squeeze3A_213 = vector.shape_cast %slice3A_212 : vector<1x512xf32> to vector<512xf32>
    %slice3A_214 = vector.extract_strided_slice %mul3A_49 {offsets = [1, 0], sizes = [1, 512], strides = [1, 1]} : vector<2x1024xf32> to vector<1x512xf32>
    %squeeze3A_215 = vector.shape_cast %slice3A_214 : vector<1x512xf32> to vector<512xf32>
    %add3A_216 = arith.addf %squeeze3A_213, %squeeze3A_215 : vector<512xf32>
    %broadcast_in_dim3A_217 = vector.shape_cast %add3A_216 : vector<512xf32> to vector<1x512xf32>
    %slice3A_218 = vector.extract_strided_slice %mul3A_34 {offsets = [3, 512], sizes = [1, 512], strides = [1, 1]} : vector<10x1024xf32> to vector<1x512xf32>
    %squeeze3A_219 = vector.shape_cast %slice3A_218 : vector<1x512xf32> to vector<512xf32>
    %slice3A_220 = vector.extract_strided_slice %mul3A_49 {offsets = [1, 512], sizes = [1, 512], strides = [1, 1]} : vector<2x1024xf32> to vector<1x512xf32>
    %squeeze3A_221 = vector.shape_cast %slice3A_220 : vector<1x512xf32> to vector<512xf32>
    %add3A_222 = arith.addf %squeeze3A_219, %squeeze3A_221 : vector<512xf32>
    %broadcast_in_dim3A_223 = vector.shape_cast %add3A_222 : vector<512xf32> to vector<1x512xf32>
    %add3A_224 = vector.broadcast %broadcast_in_dim3A_217 : vector<1x512xf32> to vector<30x512xf32>
    %add3A_225 = arith.addf %add3A_224, %mul3A_54 : vector<30x512xf32>
    %swap3A_226 = arith.constant 210 : index
    %swap3A_227 = arith.constant 0 : index
    %swap3A_228 = vector.load %arg11[%swap3A_226, %swap3A_227] : memref<1200x512xf32, #tpu.memory_space<vmem>>, vector<30x512xf32>
    tpu.vector_store %arg11[%swap3A_226, %swap3A_227], %add3A_225 {strides = array<i32>} : memref<1200x512xf32, #tpu.memory_space<vmem>>, vector<30x512xf32>,
    %add3A_229 = vector.broadcast %broadcast_in_dim3A_223 : vector<1x512xf32> to vector<30x512xf32>
    %add3A_230 = arith.addf %add3A_229, %mul3A_59 : vector<30x512xf32>
    %swap3A_231 = arith.constant 810 : index
    %swap3A_232 = arith.constant 0 : index
    %swap3A_233 = vector.load %arg11[%swap3A_231, %swap3A_232] : memref<1200x512xf32, #tpu.memory_space<vmem>>, vector<30x512xf32>
    tpu.vector_store %arg11[%swap3A_231, %swap3A_232], %add3A_230 {strides = array<i32>} : memref<1200x512xf32, #tpu.memory_space<vmem>>, vector<30x512xf32>,
    %slice3A_234 = vector.extract_strided_slice %mul3A_34 {offsets = [4, 0], sizes = [1, 512], strides = [1, 1]} : vector<10x1024xf32> to vector<1x512xf32>
    %squeeze3A_235 = vector.shape_cast %slice3A_234 : vector<1x512xf32> to vector<512xf32>
    %slice3A_236 = vector.extract_strided_slice %mul3A_49 {offsets = [0, 0], sizes = [1, 512], strides = [1, 1]} : vector<2x1024xf32> to vector<1x512xf32>
    %squeeze3A_237 = vector.shape_cast %slice3A_236 : vector<1x512xf32> to vector<512xf32>
    %add3A_238 = arith.addf %squeeze3A_235, %squeeze3A_237 : vector<512xf32>
    %broadcast_in_dim3A_239 = vector.shape_cast %add3A_238 : vector<512xf32> to vector<1x512xf32>
    %slice3A_240 = vector.extract_strided_slice %mul3A_34 {offsets = [4, 512], sizes = [1, 512], strides = [1, 1]} : vector<10x1024xf32> to vector<1x512xf32>
    %squeeze3A_241 = vector.shape_cast %slice3A_240 : vector<1x512xf32> to vector<512xf32>
    %slice3A_242 = vector.extract_strided_slice %mul3A_49 {offsets = [0, 512], sizes = [1, 512], strides = [1, 1]} : vector<2x1024xf32> to vector<1x512xf32>
    %squeeze3A_243 = vector.shape_cast %slice3A_242 : vector<1x512xf32> to vector<512xf32>
    %add3A_244 = arith.addf %squeeze3A_241, %squeeze3A_243 : vector<512xf32>
    %broadcast_in_dim3A_245 = vector.shape_cast %add3A_244 : vector<512xf32> to vector<1x512xf32>
    %add3A_246 = vector.broadcast %broadcast_in_dim3A_239 : vector<1x512xf32> to vector<30x512xf32>
    %add3A_247 = arith.addf %add3A_246, %mul3A_54 : vector<30x512xf32>
    %swap3A_248 = arith.constant 240 : index
    %swap3A_249 = arith.constant 0 : index
    %swap3A_250 = vector.load %arg11[%swap3A_248, %swap3A_249] : memref<1200x512xf32, #tpu.memory_space<vmem>>, vector<30x512xf32>
    tpu.vector_store %arg11[%swap3A_248, %swap3A_249], %add3A_247 {strides = array<i32>} : memref<1200x512xf32, #tpu.memory_space<vmem>>, vector<30x512xf32>,
    %add3A_251 = vector.broadcast %broadcast_in_dim3A_245 : vector<1x512xf32> to vector<30x512xf32>
    %add3A_252 = arith.addf %add3A_251, %mul3A_59 : vector<30x512xf32>
    %swap3A_253 = arith.constant 840 : index
    %swap3A_254 = arith.constant 0 : index
    %swap3A_255 = vector.load %arg11[%swap3A_253, %swap3A_254] : memref<1200x512xf32, #tpu.memory_space<vmem>>, vector<30x512xf32>
    tpu.vector_store %arg11[%swap3A_253, %swap3A_254], %add3A_252 {strides = array<i32>} : memref<1200x512xf32, #tpu.memory_space<vmem>>, vector<30x512xf32>,
    %slice3A_256 = vector.extract_strided_slice %mul3A_34 {offsets = [4, 0], sizes = [1, 512], strides = [1, 1]} : vector<10x1024xf32> to vector<1x512xf32>
    %squeeze3A_257 = vector.shape_cast %slice3A_256 : vector<1x512xf32> to vector<512xf32>
    %slice3A_258 = vector.extract_strided_slice %mul3A_49 {offsets = [1, 0], sizes = [1, 512], strides = [1, 1]} : vector<2x1024xf32> to vector<1x512xf32>
    %squeeze3A_259 = vector.shape_cast %slice3A_258 : vector<1x512xf32> to vector<512xf32>
    %add3A_260 = arith.addf %squeeze3A_257, %squeeze3A_259 : vector<512xf32>
    %broadcast_in_dim3A_261 = vector.shape_cast %add3A_260 : vector<512xf32> to vector<1x512xf32>
    %slice3A_262 = vector.extract_strided_slice %mul3A_34 {offsets = [4, 512], sizes = [1, 512], strides = [1, 1]} : vector<10x1024xf32> to vector<1x512xf32>
    %squeeze3A_263 = vector.shape_cast %slice3A_262 : vector<1x512xf32> to vector<512xf32>
    %slice3A_264 = vector.extract_strided_slice %mul3A_49 {offsets = [1, 512], sizes = [1, 512], strides = [1, 1]} : vector<2x1024xf32> to vector<1x512xf32>
    %squeeze3A_265 = vector.shape_cast %slice3A_264 : vector<1x512xf32> to vector<512xf32>
    %add3A_266 = arith.addf %squeeze3A_263, %squeeze3A_265 : vector<512xf32>
    %broadcast_in_dim3A_267 = vector.shape_cast %add3A_266 : vector<512xf32> to vector<1x512xf32>
    %add3A_268 = vector.broadcast %broadcast_in_dim3A_261 : vector<1x512xf32> to vector<30x512xf32>
    %add3A_269 = arith.addf %add3A_268, %mul3A_54 : vector<30x512xf32>
    %swap3A_270 = arith.constant 270 : index
    %swap3A_271 = arith.constant 0 : index
    %swap3A_272 = vector.load %arg11[%swap3A_270, %swap3A_271] : memref<1200x512xf32, #tpu.memory_space<vmem>>, vector<30x512xf32>
    tpu.vector_store %arg11[%swap3A_270, %swap3A_271], %add3A_269 {strides = array<i32>} : memref<1200x512xf32, #tpu.memory_space<vmem>>, vector<30x512xf32>,
    %add3A_273 = vector.broadcast %broadcast_in_dim3A_267 : vector<1x512xf32> to vector<30x512xf32>
    %add3A_274 = arith.addf %add3A_273, %mul3A_59 : vector<30x512xf32>
    %swap3A_275 = arith.constant 870 : index
    %swap3A_276 = arith.constant 0 : index
    %swap3A_277 = vector.load %arg11[%swap3A_275, %swap3A_276] : memref<1200x512xf32, #tpu.memory_space<vmem>>, vector<30x512xf32>
    tpu.vector_store %arg11[%swap3A_275, %swap3A_276], %add3A_274 {strides = array<i32>} : memref<1200x512xf32, #tpu.memory_space<vmem>>, vector<30x512xf32>,
    %slice3A_278 = vector.extract_strided_slice %mul3A_34 {offsets = [5, 0], sizes = [1, 512], strides = [1, 1]} : vector<10x1024xf32> to vector<1x512xf32>
    %squeeze3A_279 = vector.shape_cast %slice3A_278 : vector<1x512xf32> to vector<512xf32>
    %slice3A_280 = vector.extract_strided_slice %mul3A_49 {offsets = [0, 0], sizes = [1, 512], strides = [1, 1]} : vector<2x1024xf32> to vector<1x512xf32>
    %squeeze3A_281 = vector.shape_cast %slice3A_280 : vector<1x512xf32> to vector<512xf32>
    %add3A_282 = arith.addf %squeeze3A_279, %squeeze3A_281 : vector<512xf32>
    %broadcast_in_dim3A_283 = vector.shape_cast %add3A_282 : vector<512xf32> to vector<1x512xf32>
    %slice3A_284 = vector.extract_strided_slice %mul3A_34 {offsets = [5, 512], sizes = [1, 512], strides = [1, 1]} : vector<10x1024xf32> to vector<1x512xf32>
    %squeeze3A_285 = vector.shape_cast %slice3A_284 : vector<1x512xf32> to vector<512xf32>
    %slice3A_286 = vector.extract_strided_slice %mul3A_49 {offsets = [0, 512], sizes = [1, 512], strides = [1, 1]} : vector<2x1024xf32> to vector<1x512xf32>
    %squeeze3A_287 = vector.shape_cast %slice3A_286 : vector<1x512xf32> to vector<512xf32>
    %add3A_288 = arith.addf %squeeze3A_285, %squeeze3A_287 : vector<512xf32>
    %broadcast_in_dim3A_289 = vector.shape_cast %add3A_288 : vector<512xf32> to vector<1x512xf32>
    %add3A_290 = vector.broadcast %broadcast_in_dim3A_283 : vector<1x512xf32> to vector<30x512xf32>
    %add3A_291 = arith.addf %add3A_290, %mul3A_54 : vector<30x512xf32>
    %swap3A_292 = arith.constant 300 : index
    %swap3A_293 = arith.constant 0 : index
    %swap3A_294 = vector.load %arg11[%swap3A_292, %swap3A_293] : memref<1200x512xf32, #tpu.memory_space<vmem>>, vector<30x512xf32>
    tpu.vector_store %arg11[%swap3A_292, %swap3A_293], %add3A_291 {strides = array<i32>} : memref<1200x512xf32, #tpu.memory_space<vmem>>, vector<30x512xf32>,
    %add3A_295 = vector.broadcast %broadcast_in_dim3A_289 : vector<1x512xf32> to vector<30x512xf32>
    %add3A_296 = arith.addf %add3A_295, %mul3A_59 : vector<30x512xf32>
    %swap3A_297 = arith.constant 900 : index
    %swap3A_298 = arith.constant 0 : index
    %swap3A_299 = vector.load %arg11[%swap3A_297, %swap3A_298] : memref<1200x512xf32, #tpu.memory_space<vmem>>, vector<30x512xf32>
    tpu.vector_store %arg11[%swap3A_297, %swap3A_298], %add3A_296 {strides = array<i32>} : memref<1200x512xf32, #tpu.memory_space<vmem>>, vector<30x512xf32>,
    %slice3A_300 = vector.extract_strided_slice %mul3A_34 {offsets = [5, 0], sizes = [1, 512], strides = [1, 1]} : vector<10x1024xf32> to vector<1x512xf32>
    %squeeze3A_301 = vector.shape_cast %slice3A_300 : vector<1x512xf32> to vector<512xf32>
    %slice3A_302 = vector.extract_strided_slice %mul3A_49 {offsets = [1, 0], sizes = [1, 512], strides = [1, 1]} : vector<2x1024xf32> to vector<1x512xf32>
    %squeeze3A_303 = vector.shape_cast %slice3A_302 : vector<1x512xf32> to vector<512xf32>
    %add3A_304 = arith.addf %squeeze3A_301, %squeeze3A_303 : vector<512xf32>
    %broadcast_in_dim3A_305 = vector.shape_cast %add3A_304 : vector<512xf32> to vector<1x512xf32>
    %slice3A_306 = vector.extract_strided_slice %mul3A_34 {offsets = [5, 512], sizes = [1, 512], strides = [1, 1]} : vector<10x1024xf32> to vector<1x512xf32>
    %squeeze3A_307 = vector.shape_cast %slice3A_306 : vector<1x512xf32> to vector<512xf32>
    %slice3A_308 = vector.extract_strided_slice %mul3A_49 {offsets = [1, 512], sizes = [1, 512], strides = [1, 1]} : vector<2x1024xf32> to vector<1x512xf32>
    %squeeze3A_309 = vector.shape_cast %slice3A_308 : vector<1x512xf32> to vector<512xf32>
    %add3A_310 = arith.addf %squeeze3A_307, %squeeze3A_309 : vector<512xf32>
    %broadcast_in_dim3A_311 = vector.shape_cast %add3A_310 : vector<512xf32> to vector<1x512xf32>
    %add3A_312 = vector.broadcast %broadcast_in_dim3A_305 : vector<1x512xf32> to vector<30x512xf32>
    %add3A_313 = arith.addf %add3A_312, %mul3A_54 : vector<30x512xf32>
    %swap3A_314 = arith.constant 330 : index
    %swap3A_315 = arith.constant 0 : index
    %swap3A_316 = vector.load %arg11[%swap3A_314, %swap3A_315] : memref<1200x512xf32, #tpu.memory_space<vmem>>, vector<30x512xf32>
    tpu.vector_store %arg11[%swap3A_314, %swap3A_315], %add3A_313 {strides = array<i32>} : memref<1200x512xf32, #tpu.memory_space<vmem>>, vector<30x512xf32>,
    %add3A_317 = vector.broadcast %broadcast_in_dim3A_311 : vector<1x512xf32> to vector<30x512xf32>
    %add3A_318 = arith.addf %add3A_317, %mul3A_59 : vector<30x512xf32>
    %swap3A_319 = arith.constant 930 : index
    %swap3A_320 = arith.constant 0 : index
    %swap3A_321 = vector.load %arg11[%swap3A_319, %swap3A_320] : memref<1200x512xf32, #tpu.memory_space<vmem>>, vector<30x512xf32>
    tpu.vector_store %arg11[%swap3A_319, %swap3A_320], %add3A_318 {strides = array<i32>} : memref<1200x512xf32, #tpu.memory_space<vmem>>, vector<30x512xf32>,
    %slice3A_322 = vector.extract_strided_slice %mul3A_34 {offsets = [6, 0], sizes = [1, 512], strides = [1, 1]} : vector<10x1024xf32> to vector<1x512xf32>
    %squeeze3A_323 = vector.shape_cast %slice3A_322 : vector<1x512xf32> to vector<512xf32>
    %slice3A_324 = vector.extract_strided_slice %mul3A_49 {offsets = [0, 0], sizes = [1, 512], strides = [1, 1]} : vector<2x1024xf32> to vector<1x512xf32>
    %squeeze3A_325 = vector.shape_cast %slice3A_324 : vector<1x512xf32> to vector<512xf32>
    %add3A_326 = arith.addf %squeeze3A_323, %squeeze3A_325 : vector<512xf32>
    %broadcast_in_dim3A_327 = vector.shape_cast %add3A_326 : vector<512xf32> to vector<1x512xf32>
    %slice3A_328 = vector.extract_strided_slice %mul3A_34 {offsets = [6, 512], sizes = [1, 512], strides = [1, 1]} : vector<10x1024xf32> to vector<1x512xf32>
    %squeeze3A_329 = vector.shape_cast %slice3A_328 : vector<1x512xf32> to vector<512xf32>
    %slice3A_330 = vector.extract_strided_slice %mul3A_49 {offsets = [0, 512], sizes = [1, 512], strides = [1, 1]} : vector<2x1024xf32> to vector<1x512xf32>
    %squeeze3A_331 = vector.shape_cast %slice3A_330 : vector<1x512xf32> to vector<512xf32>
    %add3A_332 = arith.addf %squeeze3A_329, %squeeze3A_331 : vector<512xf32>
    %broadcast_in_dim3A_333 = vector.shape_cast %add3A_332 : vector<512xf32> to vector<1x512xf32>
    %add3A_334 = vector.broadcast %broadcast_in_dim3A_327 : vector<1x512xf32> to vector<30x512xf32>
    %add3A_335 = arith.addf %add3A_334, %mul3A_54 : vector<30x512xf32>
    %swap3A_336 = arith.constant 360 : index
    %swap3A_337 = arith.constant 0 : index
    %swap3A_338 = vector.load %arg11[%swap3A_336, %swap3A_337] : memref<1200x512xf32, #tpu.memory_space<vmem>>, vector<30x512xf32>
    tpu.vector_store %arg11[%swap3A_336, %swap3A_337], %add3A_335 {strides = array<i32>} : memref<1200x512xf32, #tpu.memory_space<vmem>>, vector<30x512xf32>,
    %add3A_339 = vector.broadcast %broadcast_in_dim3A_333 : vector<1x512xf32> to vector<30x512xf32>
    %add3A_340 = arith.addf %add3A_339, %mul3A_59 : vector<30x512xf32>
    %swap3A_341 = arith.constant 960 : index
    %swap3A_342 = arith.constant 0 : index
    %swap3A_343 = vector.load %arg11[%swap3A_341, %swap3A_342] : memref<1200x512xf32, #tpu.memory_space<vmem>>, vector<30x512xf32>
    tpu.vector_store %arg11[%swap3A_341, %swap3A_342], %add3A_340 {strides = array<i32>} : memref<1200x512xf32, #tpu.memory_space<vmem>>, vector<30x512xf32>,
    %slice3A_344 = vector.extract_strided_slice %mul3A_34 {offsets = [6, 0], sizes = [1, 512], strides = [1, 1]} : vector<10x1024xf32> to vector<1x512xf32>
    %squeeze3A_345 = vector.shape_cast %slice3A_344 : vector<1x512xf32> to vector<512xf32>
    %slice3A_346 = vector.extract_strided_slice %mul3A_49 {offsets = [1, 0], sizes = [1, 512], strides = [1, 1]} : vector<2x1024xf32> to vector<1x512xf32>
    %squeeze3A_347 = vector.shape_cast %slice3A_346 : vector<1x512xf32> to vector<512xf32>
    %add3A_348 = arith.addf %squeeze3A_345, %squeeze3A_347 : vector<512xf32>
    %broadcast_in_dim3A_349 = vector.shape_cast %add3A_348 : vector<512xf32> to vector<1x512xf32>
    %slice3A_350 = vector.extract_strided_slice %mul3A_34 {offsets = [6, 512], sizes = [1, 512], strides = [1, 1]} : vector<10x1024xf32> to vector<1x512xf32>
    %squeeze3A_351 = vector.shape_cast %slice3A_350 : vector<1x512xf32> to vector<512xf32>
    %slice3A_352 = vector.extract_strided_slice %mul3A_49 {offsets = [1, 512], sizes = [1, 512], strides = [1, 1]} : vector<2x1024xf32> to vector<1x512xf32>
    %squeeze3A_353 = vector.shape_cast %slice3A_352 : vector<1x512xf32> to vector<512xf32>
    %add3A_354 = arith.addf %squeeze3A_351, %squeeze3A_353 : vector<512xf32>
    %broadcast_in_dim3A_355 = vector.shape_cast %add3A_354 : vector<512xf32> to vector<1x512xf32>
    %add3A_356 = vector.broadcast %broadcast_in_dim3A_349 : vector<1x512xf32> to vector<30x512xf32>
    %add3A_357 = arith.addf %add3A_356, %mul3A_54 : vector<30x512xf32>
    %swap3A_358 = arith.constant 390 : index
    %swap3A_359 = arith.constant 0 : index
    %swap3A_360 = vector.load %arg11[%swap3A_358, %swap3A_359] : memref<1200x512xf32, #tpu.memory_space<vmem>>, vector<30x512xf32>
    tpu.vector_store %arg11[%swap3A_358, %swap3A_359], %add3A_357 {strides = array<i32>} : memref<1200x512xf32, #tpu.memory_space<vmem>>, vector<30x512xf32>,
    %add3A_361 = vector.broadcast %broadcast_in_dim3A_355 : vector<1x512xf32> to vector<30x512xf32>
    %add3A_362 = arith.addf %add3A_361, %mul3A_59 : vector<30x512xf32>
    %swap3A_363 = arith.constant 990 : index
    %swap3A_364 = arith.constant 0 : index
    %swap3A_365 = vector.load %arg11[%swap3A_363, %swap3A_364] : memref<1200x512xf32, #tpu.memory_space<vmem>>, vector<30x512xf32>
    tpu.vector_store %arg11[%swap3A_363, %swap3A_364], %add3A_362 {strides = array<i32>} : memref<1200x512xf32, #tpu.memory_space<vmem>>, vector<30x512xf32>,
    %slice3A_366 = vector.extract_strided_slice %mul3A_34 {offsets = [7, 0], sizes = [1, 512], strides = [1, 1]} : vector<10x1024xf32> to vector<1x512xf32>
    %squeeze3A_367 = vector.shape_cast %slice3A_366 : vector<1x512xf32> to vector<512xf32>
    %slice3A_368 = vector.extract_strided_slice %mul3A_49 {offsets = [0, 0], sizes = [1, 512], strides = [1, 1]} : vector<2x1024xf32> to vector<1x512xf32>
    %squeeze3A_369 = vector.shape_cast %slice3A_368 : vector<1x512xf32> to vector<512xf32>
    %add3A_370 = arith.addf %squeeze3A_367, %squeeze3A_369 : vector<512xf32>
    %broadcast_in_dim3A_371 = vector.shape_cast %add3A_370 : vector<512xf32> to vector<1x512xf32>
    %slice3A_372 = vector.extract_strided_slice %mul3A_34 {offsets = [7, 512], sizes = [1, 512], strides = [1, 1]} : vector<10x1024xf32> to vector<1x512xf32>
    %squeeze3A_373 = vector.shape_cast %slice3A_372 : vector<1x512xf32> to vector<512xf32>
    %slice3A_374 = vector.extract_strided_slice %mul3A_49 {offsets = [0, 512], sizes = [1, 512], strides = [1, 1]} : vector<2x1024xf32> to vector<1x512xf32>
    %squeeze3A_375 = vector.shape_cast %slice3A_374 : vector<1x512xf32> to vector<512xf32>
    %add3A_376 = arith.addf %squeeze3A_373, %squeeze3A_375 : vector<512xf32>
    %broadcast_in_dim3A_377 = vector.shape_cast %add3A_376 : vector<512xf32> to vector<1x512xf32>
    %add3A_378 = vector.broadcast %broadcast_in_dim3A_371 : vector<1x512xf32> to vector<30x512xf32>
    %add3A_379 = arith.addf %add3A_378, %mul3A_54 : vector<30x512xf32>
    %swap3A_380 = arith.constant 420 : index
    %swap3A_381 = arith.constant 0 : index
    %swap3A_382 = vector.load %arg11[%swap3A_380, %swap3A_381] : memref<1200x512xf32, #tpu.memory_space<vmem>>, vector<30x512xf32>
    tpu.vector_store %arg11[%swap3A_380, %swap3A_381], %add3A_379 {strides = array<i32>} : memref<1200x512xf32, #tpu.memory_space<vmem>>, vector<30x512xf32>,
    %add3A_383 = vector.broadcast %broadcast_in_dim3A_377 : vector<1x512xf32> to vector<30x512xf32>
    %add3A_384 = arith.addf %add3A_383, %mul3A_59 : vector<30x512xf32>
    %swap3A_385 = arith.constant 1020 : index
    %swap3A_386 = arith.constant 0 : index
    %swap3A_387 = vector.load %arg11[%swap3A_385, %swap3A_386] : memref<1200x512xf32, #tpu.memory_space<vmem>>, vector<30x512xf32>
    tpu.vector_store %arg11[%swap3A_385, %swap3A_386], %add3A_384 {strides = array<i32>} : memref<1200x512xf32, #tpu.memory_space<vmem>>, vector<30x512xf32>,
    %slice3A_388 = vector.extract_strided_slice %mul3A_34 {offsets = [7, 0], sizes = [1, 512], strides = [1, 1]} : vector<10x1024xf32> to vector<1x512xf32>
    %squeeze3A_389 = vector.shape_cast %slice3A_388 : vector<1x512xf32> to vector<512xf32>
    %slice3A_390 = vector.extract_strided_slice %mul3A_49 {offsets = [1, 0], sizes = [1, 512], strides = [1, 1]} : vector<2x1024xf32> to vector<1x512xf32>
    %squeeze3A_391 = vector.shape_cast %slice3A_390 : vector<1x512xf32> to vector<512xf32>
    %add3A_392 = arith.addf %squeeze3A_389, %squeeze3A_391 : vector<512xf32>
    %broadcast_in_dim3A_393 = vector.shape_cast %add3A_392 : vector<512xf32> to vector<1x512xf32>
    %slice3A_394 = vector.extract_strided_slice %mul3A_34 {offsets = [7, 512], sizes = [1, 512], strides = [1, 1]} : vector<10x1024xf32> to vector<1x512xf32>
    %squeeze3A_395 = vector.shape_cast %slice3A_394 : vector<1x512xf32> to vector<512xf32>
    %slice3A_396 = vector.extract_strided_slice %mul3A_49 {offsets = [1, 512], sizes = [1, 512], strides = [1, 1]} : vector<2x1024xf32> to vector<1x512xf32>
    %squeeze3A_397 = vector.shape_cast %slice3A_396 : vector<1x512xf32> to vector<512xf32>
    %add3A_398 = arith.addf %squeeze3A_395, %squeeze3A_397 : vector<512xf32>
    %broadcast_in_dim3A_399 = vector.shape_cast %add3A_398 : vector<512xf32> to vector<1x512xf32>
    %add3A_400 = vector.broadcast %broadcast_in_dim3A_393 : vector<1x512xf32> to vector<30x512xf32>
    %add3A_401 = arith.addf %add3A_400, %mul3A_54 : vector<30x512xf32>
    %swap3A_402 = arith.constant 450 : index
    %swap3A_403 = arith.constant 0 : index
    %swap3A_404 = vector.load %arg11[%swap3A_402, %swap3A_403] : memref<1200x512xf32, #tpu.memory_space<vmem>>, vector<30x512xf32>
    tpu.vector_store %arg11[%swap3A_402, %swap3A_403], %add3A_401 {strides = array<i32>} : memref<1200x512xf32, #tpu.memory_space<vmem>>, vector<30x512xf32>,
    %add3A_405 = vector.broadcast %broadcast_in_dim3A_399 : vector<1x512xf32> to vector<30x512xf32>
    %add3A_406 = arith.addf %add3A_405, %mul3A_59 : vector<30x512xf32>
    %swap3A_407 = arith.constant 1050 : index
    %swap3A_408 = arith.constant 0 : index
    %swap3A_409 = vector.load %arg11[%swap3A_407, %swap3A_408] : memref<1200x512xf32, #tpu.memory_space<vmem>>, vector<30x512xf32>
    tpu.vector_store %arg11[%swap3A_407, %swap3A_408], %add3A_406 {strides = array<i32>} : memref<1200x512xf32, #tpu.memory_space<vmem>>, vector<30x512xf32>,
    %slice3A_410 = vector.extract_strided_slice %mul3A_34 {offsets = [8, 0], sizes = [1, 512], strides = [1, 1]} : vector<10x1024xf32> to vector<1x512xf32>
    %squeeze3A_411 = vector.shape_cast %slice3A_410 : vector<1x512xf32> to vector<512xf32>
    %slice3A_412 = vector.extract_strided_slice %mul3A_49 {offsets = [0, 0], sizes = [1, 512], strides = [1, 1]} : vector<2x1024xf32> to vector<1x512xf32>
    %squeeze3A_413 = vector.shape_cast %slice3A_412 : vector<1x512xf32> to vector<512xf32>
    %add3A_414 = arith.addf %squeeze3A_411, %squeeze3A_413 : vector<512xf32>
    %broadcast_in_dim3A_415 = vector.shape_cast %add3A_414 : vector<512xf32> to vector<1x512xf32>
    %slice3A_416 = vector.extract_strided_slice %mul3A_34 {offsets = [8, 512], sizes = [1, 512], strides = [1, 1]} : vector<10x1024xf32> to vector<1x512xf32>
    %squeeze3A_417 = vector.shape_cast %slice3A_416 : vector<1x512xf32> to vector<512xf32>
    %slice3A_418 = vector.extract_strided_slice %mul3A_49 {offsets = [0, 512], sizes = [1, 512], strides = [1, 1]} : vector<2x1024xf32> to vector<1x512xf32>
    %squeeze3A_419 = vector.shape_cast %slice3A_418 : vector<1x512xf32> to vector<512xf32>
    %add3A_420 = arith.addf %squeeze3A_417, %squeeze3A_419 : vector<512xf32>
    %broadcast_in_dim3A_421 = vector.shape_cast %add3A_420 : vector<512xf32> to vector<1x512xf32>
    %add3A_422 = vector.broadcast %broadcast_in_dim3A_415 : vector<1x512xf32> to vector<30x512xf32>
    %add3A_423 = arith.addf %add3A_422, %mul3A_54 : vector<30x512xf32>
    %swap3A_424 = arith.constant 480 : index
    %swap3A_425 = arith.constant 0 : index
    %swap3A_426 = vector.load %arg11[%swap3A_424, %swap3A_425] : memref<1200x512xf32, #tpu.memory_space<vmem>>, vector<30x512xf32>
    tpu.vector_store %arg11[%swap3A_424, %swap3A_425], %add3A_423 {strides = array<i32>} : memref<1200x512xf32, #tpu.memory_space<vmem>>, vector<30x512xf32>,
    %add3A_427 = vector.broadcast %broadcast_in_dim3A_421 : vector<1x512xf32> to vector<30x512xf32>
    %add3A_428 = arith.addf %add3A_427, %mul3A_59 : vector<30x512xf32>
    %swap3A_429 = arith.constant 1080 : index
    %swap3A_430 = arith.constant 0 : index
    %swap3A_431 = vector.load %arg11[%swap3A_429, %swap3A_430] : memref<1200x512xf32, #tpu.memory_space<vmem>>, vector<30x512xf32>
    tpu.vector_store %arg11[%swap3A_429, %swap3A_430], %add3A_428 {strides = array<i32>} : memref<1200x512xf32, #tpu.memory_space<vmem>>, vector<30x512xf32>,
    %slice3A_432 = vector.extract_strided_slice %mul3A_34 {offsets = [8, 0], sizes = [1, 512], strides = [1, 1]} : vector<10x1024xf32> to vector<1x512xf32>
    %squeeze3A_433 = vector.shape_cast %slice3A_432 : vector<1x512xf32> to vector<512xf32>
    %slice3A_434 = vector.extract_strided_slice %mul3A_49 {offsets = [1, 0], sizes = [1, 512], strides = [1, 1]} : vector<2x1024xf32> to vector<1x512xf32>
    %squeeze3A_435 = vector.shape_cast %slice3A_434 : vector<1x512xf32> to vector<512xf32>
    %add3A_436 = arith.addf %squeeze3A_433, %squeeze3A_435 : vector<512xf32>
    %broadcast_in_dim3A_437 = vector.shape_cast %add3A_436 : vector<512xf32> to vector<1x512xf32>
    %slice3A_438 = vector.extract_strided_slice %mul3A_34 {offsets = [8, 512], sizes = [1, 512], strides = [1, 1]} : vector<10x1024xf32> to vector<1x512xf32>
    %squeeze3A_439 = vector.shape_cast %slice3A_438 : vector<1x512xf32> to vector<512xf32>
    %slice3A_440 = vector.extract_strided_slice %mul3A_49 {offsets = [1, 512], sizes = [1, 512], strides = [1, 1]} : vector<2x1024xf32> to vector<1x512xf32>
    %squeeze3A_441 = vector.shape_cast %slice3A_440 : vector<1x512xf32> to vector<512xf32>
    %add3A_442 = arith.addf %squeeze3A_439, %squeeze3A_441 : vector<512xf32>
    %broadcast_in_dim3A_443 = vector.shape_cast %add3A_442 : vector<512xf32> to vector<1x512xf32>
    %add3A_444 = vector.broadcast %broadcast_in_dim3A_437 : vector<1x512xf32> to vector<30x512xf32>
    %add3A_445 = arith.addf %add3A_444, %mul3A_54 : vector<30x512xf32>
    %swap3A_446 = arith.constant 510 : index
    %swap3A_447 = arith.constant 0 : index
    %swap3A_448 = vector.load %arg11[%swap3A_446, %swap3A_447] : memref<1200x512xf32, #tpu.memory_space<vmem>>, vector<30x512xf32>
    tpu.vector_store %arg11[%swap3A_446, %swap3A_447], %add3A_445 {strides = array<i32>} : memref<1200x512xf32, #tpu.memory_space<vmem>>, vector<30x512xf32>,
    %add3A_449 = vector.broadcast %broadcast_in_dim3A_443 : vector<1x512xf32> to vector<30x512xf32>
    %add3A_450 = arith.addf %add3A_449, %mul3A_59 : vector<30x512xf32>
    %swap3A_451 = arith.constant 1110 : index
    %swap3A_452 = arith.constant 0 : index
    %swap3A_453 = vector.load %arg11[%swap3A_451, %swap3A_452] : memref<1200x512xf32, #tpu.memory_space<vmem>>, vector<30x512xf32>
    tpu.vector_store %arg11[%swap3A_451, %swap3A_452], %add3A_450 {strides = array<i32>} : memref<1200x512xf32, #tpu.memory_space<vmem>>, vector<30x512xf32>,
    %slice3A_454 = vector.extract_strided_slice %mul3A_34 {offsets = [9, 0], sizes = [1, 512], strides = [1, 1]} : vector<10x1024xf32> to vector<1x512xf32>
    %squeeze3A_455 = vector.shape_cast %slice3A_454 : vector<1x512xf32> to vector<512xf32>
    %slice3A_456 = vector.extract_strided_slice %mul3A_49 {offsets = [0, 0], sizes = [1, 512], strides = [1, 1]} : vector<2x1024xf32> to vector<1x512xf32>
    %squeeze3A_457 = vector.shape_cast %slice3A_456 : vector<1x512xf32> to vector<512xf32>
    %add3A_458 = arith.addf %squeeze3A_455, %squeeze3A_457 : vector<512xf32>
    %broadcast_in_dim3A_459 = vector.shape_cast %add3A_458 : vector<512xf32> to vector<1x512xf32>
    %slice3A_460 = vector.extract_strided_slice %mul3A_34 {offsets = [9, 512], sizes = [1, 512], strides = [1, 1]} : vector<10x1024xf32> to vector<1x512xf32>
    %squeeze3A_461 = vector.shape_cast %slice3A_460 : vector<1x512xf32> to vector<512xf32>
    %slice3A_462 = vector.extract_strided_slice %mul3A_49 {offsets = [0, 512], sizes = [1, 512], strides = [1, 1]} : vector<2x1024xf32> to vector<1x512xf32>
    %squeeze3A_463 = vector.shape_cast %slice3A_462 : vector<1x512xf32> to vector<512xf32>
    %add3A_464 = arith.addf %squeeze3A_461, %squeeze3A_463 : vector<512xf32>
    %broadcast_in_dim3A_465 = vector.shape_cast %add3A_464 : vector<512xf32> to vector<1x512xf32>
    %add3A_466 = vector.broadcast %broadcast_in_dim3A_459 : vector<1x512xf32> to vector<30x512xf32>
    %add3A_467 = arith.addf %add3A_466, %mul3A_54 : vector<30x512xf32>
    %swap3A_468 = arith.constant 540 : index
    %swap3A_469 = arith.constant 0 : index
    %swap3A_470 = vector.load %arg11[%swap3A_468, %swap3A_469] : memref<1200x512xf32, #tpu.memory_space<vmem>>, vector<30x512xf32>
    tpu.vector_store %arg11[%swap3A_468, %swap3A_469], %add3A_467 {strides = array<i32>} : memref<1200x512xf32, #tpu.memory_space<vmem>>, vector<30x512xf32>,
    %add3A_471 = vector.broadcast %broadcast_in_dim3A_465 : vector<1x512xf32> to vector<30x512xf32>
    %add3A_472 = arith.addf %add3A_471, %mul3A_59 : vector<30x512xf32>
    %swap3A_473 = arith.constant 1140 : index
    %swap3A_474 = arith.constant 0 : index
    %swap3A_475 = vector.load %arg11[%swap3A_473, %swap3A_474] : memref<1200x512xf32, #tpu.memory_space<vmem>>, vector<30x512xf32>
    tpu.vector_store %arg11[%swap3A_473, %swap3A_474], %add3A_472 {strides = array<i32>} : memref<1200x512xf32, #tpu.memory_space<vmem>>, vector<30x512xf32>,
    %slice3A_476 = vector.extract_strided_slice %mul3A_34 {offsets = [9, 0], sizes = [1, 512], strides = [1, 1]} : vector<10x1024xf32> to vector<1x512xf32>
    %squeeze3A_477 = vector.shape_cast %slice3A_476 : vector<1x512xf32> to vector<512xf32>
    %slice3A_478 = vector.extract_strided_slice %mul3A_49 {offsets = [1, 0], sizes = [1, 512], strides = [1, 1]} : vector<2x1024xf32> to vector<1x512xf32>
    %squeeze3A_479 = vector.shape_cast %slice3A_478 : vector<1x512xf32> to vector<512xf32>
    %add3A_480 = arith.addf %squeeze3A_477, %squeeze3A_479 : vector<512xf32>
    %broadcast_in_dim3A_481 = vector.shape_cast %add3A_480 : vector<512xf32> to vector<1x512xf32>
    %slice3A_482 = vector.extract_strided_slice %mul3A_34 {offsets = [9, 512], sizes = [1, 512], strides = [1, 1]} : vector<10x1024xf32> to vector<1x512xf32>
    %squeeze3A_483 = vector.shape_cast %slice3A_482 : vector<1x512xf32> to vector<512xf32>
    %slice3A_484 = vector.extract_strided_slice %mul3A_49 {offsets = [1, 512], sizes = [1, 512], strides = [1, 1]} : vector<2x1024xf32> to vector<1x512xf32>
    %squeeze3A_485 = vector.shape_cast %slice3A_484 : vector<1x512xf32> to vector<512xf32>
    %add3A_486 = arith.addf %squeeze3A_483, %squeeze3A_485 : vector<512xf32>
    %broadcast_in_dim3A_487 = vector.shape_cast %add3A_486 : vector<512xf32> to vector<1x512xf32>
    %add3A_488 = vector.broadcast %broadcast_in_dim3A_481 : vector<1x512xf32> to vector<30x512xf32>
    %add3A_489 = arith.addf %add3A_488, %mul3A_54 : vector<30x512xf32>
    %swap3A_490 = arith.constant 570 : index
    %swap3A_491 = arith.constant 0 : index
    %swap3A_492 = vector.load %arg11[%swap3A_490, %swap3A_491] : memref<1200x512xf32, #tpu.memory_space<vmem>>, vector<30x512xf32>
    tpu.vector_store %arg11[%swap3A_490, %swap3A_491], %add3A_489 {strides = array<i32>} : memref<1200x512xf32, #tpu.memory_space<vmem>>, vector<30x512xf32>,
    %add3A_493 = vector.broadcast %broadcast_in_dim3A_487 : vector<1x512xf32> to vector<30x512xf32>
    %add3A_494 = arith.addf %add3A_493, %mul3A_59 : vector<30x512xf32>
    %swap3A_495 = arith.constant 1170 : index
    %swap3A_496 = arith.constant 0 : index
    %swap3A_497 = vector.load %arg11[%swap3A_495, %swap3A_496] : memref<1200x512xf32, #tpu.memory_space<vmem>>, vector<30x512xf32>
    tpu.vector_store %arg11[%swap3A_495, %swap3A_496], %add3A_494 {strides = array<i32>} : memref<1200x512xf32, #tpu.memory_space<vmem>>, vector<30x512xf32>,
    %get3A_498 = arith.constant 0 : index
    %get3A_499 = arith.constant 0 : index
    %get3A_500 = vector.load %arg7[%get3A_498, %get3A_499] : memref<4x8192xi32, #tpu.memory_space<vmem>>, vector<4x8192xi32>
    %mul3A_501 = arith.constant 2 : i32
    %mul3A_502 = vector.broadcast %mul3A_501 : i32 to vector<4x8192xi32>
    %mul3A_503 = arith.muli %get3A_500, %mul3A_502 : vector<4x8192xi32>
    %get3A_504 = arith.constant 0 : index
    %get3A_505 = arith.constant 0 : index
    %get3A_506 = vector.load %arg8[%get3A_504, %get3A_505] : memref<4x8192xi32, #tpu.memory_space<vmem>>, vector<4x8192xi32>
    %add3A_507 = arith.addi %mul3A_503, %get3A_506 : vector<4x8192xi32>
    %mul3A_508 = arith.constant 30 : i32
    %mul3A_509 = vector.broadcast %mul3A_508 : i32 to vector<4x8192xi32>
    %mul3A_510 = arith.muli %add3A_507, %mul3A_509 : vector<4x8192xi32>
    %get3A_511 = arith.constant 0 : index
    %get3A_512 = arith.constant 0 : index
    %get3A_513 = vector.load %arg9[%get3A_511, %get3A_512] : memref<4x8192xi32, #tpu.memory_space<vmem>>, vector<4x8192xi32>
    %add3A_514 = arith.addi %mul3A_510, %get3A_513 : vector<4x8192xi32>
    %swap3A_515 = arith.constant 0 : index
    %swap3A_516 = arith.constant 0 : index
    %swap3A_517 = vector.load %arg12[%swap3A_515, %swap3A_516] : memref<4x8192xi32, #tpu.memory_space<vmem>>, vector<4x8192xi32>
    tpu.vector_store %arg12[%swap3A_515, %swap3A_516], %add3A_514 {strides = array<i32>} : memref<4x8192xi32, #tpu.memory_space<vmem>>, vector<4x8192xi32>,
    %add3A_518 = arith.constant 600 : i32
    %add3A_519 = vector.broadcast %add3A_518 : i32 to vector<4x8192xi32>
    %add3A_520 = arith.addi %add3A_519, %mul3A_510 : vector<4x8192xi32>
    %get3A_521 = arith.constant 0 : index
    %get3A_522 = arith.constant 0 : index
    %get3A_523 = vector.load %arg10[%get3A_521, %get3A_522] : memref<4x8192xi32, #tpu.memory_space<vmem>>, vector<4x8192xi32>
    %add3A_524 = arith.addi %add3A_520, %get3A_523 : vector<4x8192xi32>
    %swap3A_525 = arith.constant 0 : index
    %swap3A_526 = arith.constant 0 : index
    %swap3A_527 = vector.load %arg13[%swap3A_525, %swap3A_526] : memref<4x8192xi32, #tpu.memory_space<vmem>>, vector<4x8192xi32>
    tpu.vector_store %arg13[%swap3A_525, %swap3A_526], %add3A_524 {strides = array<i32>} : memref<4x8192xi32, #tpu.memory_space<vmem>>, vector<4x8192xi32>,
    return
  }
}

</mosaic_0001>

<sc_bundles>
// kernel: kernel.4.cloned.1.call-start
scs
__scs_entry_jumppad:
0x0: {  	(pc) =	sbr.rel $0x88, $3  }
0x1: {  	(tag) =	ssettag $0x0;
	lr =	simm.s32 $0x1  }
0x2: {  	[smem:$0x3F96] =	sst lr;
	_ =	strace $0xD0000000  }
0x3: {  	_ = 	snop  }
0x4: {  	_ = 	snop  }
0x5: {  	_ = 	snop  }
0x6: {  	_ = 	snop  }
0x7: {  	_ = 	snop  }
__scs_overlays_trampoline_lowered:
0x8: {  	[smem:$0x3FA5] =	sst s0  }
0x9: {  	[smem:$0x3FA6] =	sst s1  }
0xa: {  	[smem:$0x3FA7] =	sst s2  }
0xb: {  	[smem:$0x3FA8] =	sst s3  }
0xc: {  	[smem:$0x3FA9] =	sst s4  }
0xd: {  	[smem:$0x3FAA] =	sst s5  }
0xe: {  	[smem:$0x3FAB] =	sst s6  }
0xf: {  	[smem:$0x3FAC] =	sst s7  }
0x10: {  	[smem:$0x3FAD] =	sst s8  }
0x11: {  	[smem:$0x3FAE] =	sst s9;
	s0 =	simm.s32 @!p0 $0x0  }
0x12: {  	s1 =	sld [smem:$0x3F94];
	s0 =	simm.s32 @p0 $0x1  }
0x13: {  	[smem:$0x3FAF] =	sst s0;
	s0 =	simm.s32 @!p1 $0x0  }
0x14: {  	s2 =	sld [smem:$0x3F93];
	s0 =	simm.s32 @p1 $0x1  }
0x15: {  	[smem:$0x3FB0] =	sst s0;
	s0 =	simm.s32 @!p2 $0x0  }
0x16: {  	s3 =	sld [smem:$0x3FDB];
	s0 =	simm.s32 @p2 $0x1  }
0x17: {  	s4 =	simm.s32 $0x1BF5;
	[smem:$0x3FB2] =	sst s0  }
0x18: {  	s0 =	sld [smem:$0x3F95];
	_ =	swait.ge [sflag:s4], $0x0  }
0x19: {  	s7 =	sld [smem:$0x3F96]  }
0x1a: {  	s8 =	sadd.s32 $0xFFFFE003, lr  }
0x1b: {  	s9 =	sadd.s32 $0xFFFFFEF7, lr;
	s5 =	simm.s32 $0xFFFFFFFF;
	p2 =	slt.u32 s8, $0xFFFFF086  }
0x1c: {  	p1 =	slt.u32 s9, $0xF7A;
	s5 =	simm.s32 @!p2 $0x0  }
0x1d: {  	s5 =	simm.s32 @p1 $0x1;
	p0 =	seq.s32 s7, s2  }
0x1e: {  	s7 =	smul.u32 @!p0 $0xF7A, s2;
	p2 =	seq.s32 @!p0 s5, $0x0  }
0x1f: {  	s9 =	smul.u32 $0xF7A, s1;
	s8 =	simm.s32 @!p0 $0x1BF5;
	p2 =	por !p2, p0  }
0x20: {  	[sflag:s8] =	ssyncset.s32 @!p0 $0xFFFFF086;
	s6 =	sadd.s32 @!p0 s3, s7;
	s7 =	simm.s32 @!p0 $0x108  }
0x21: {  	s3 =	sadd.s32 s3, s9;
	s6 =	sadd.s32 @!p0 $0x88, s6;
	s7 =	simm.s32 @p2 $0x1082  }
0x22: {  	[simem:s7], [sflag:s8] =	dma.local @!p0 [hbm:s6], $0xF7A  }
0x23: {  	s9 =	sor.u32 $0xD0000000, s2;
	s6 =	simm.s32 $0x108;
	_ =	swait.ge @!p0 [sflag:s8], $0x0  }
0x24: {  	s3 =	sadd.s32 $0x88, s3;
	s6 =	simm.s32 @!p1 $0x1082;
	[sflag:s4] =	ssyncset.s32 $0xFFFFF086  }
0x25: {  	[simem:s6], [sflag:s4] =	dma.local [hbm:s3], $0xF7A  }
0x26: {  	[smem:$0x3F96] =	sst s1;
	(tag) =	ssettag s2;
	_ =	strace s9  }
0x27: {  	s1 =	sld [smem:$0x3FA6]  }
0x28: {  	s2 =	sld [smem:$0x3FA7]  }
0x29: {  	s4 =	sld [smem:$0x3FA9]  }
0x2a: {  	p0 =	seq.s32 s5, $0x0;
	s5 =	sld [smem:$0x3FAA]  }
0x2b: {  	s6 =	sld [smem:$0x3FAB]  }
0x2c: {  	s7 =	sld [smem:$0x3FAC]  }
0x2d: {  	s3 =	simm.s32 $0x108;
	s8 =	sld [smem:$0x3FAD]  }
0x2e: {  	s3 =	simm.s32 @!p0 $0x1082;
	s9 =	sld [smem:$0x3FAE]  }
0x2f: {  	lr =	sadd.s32 s0, s3;
	s0 =	sld [smem:$0x3FA5]  }
0x30: {  	s3 =	sld [smem:$0x3FA8]  }
0x31: {  	[smem:$0x3FB1] =	sst s10  }
0x32: {  	s10 =	sld [smem:$0x3FAF];
	_ =	sdelay $0x3  }
0x33: {  	p0 =	seq.s32 s10, $0x1;
	s10 =	sld [smem:$0x3FB1];
	_ =	sdelay $0x3  }
0x34: {  	[smem:$0x3FB1] =	sst s10  }
0x35: {  	s10 =	sld [smem:$0x3FB0];
	_ =	sdelay $0x3  }
0x36: {  	p1 =	seq.s32 s10, $0x1;
	s10 =	sld [smem:$0x3FB1];
	_ =	sdelay $0x3  }
0x37: {  	[smem:$0x3FB1] =	sst s10  }
0x38: {  	s10 =	sld [smem:$0x3FB2]  }
0x39: {  	_ = 	snop;
	(pc) =	sbr.ind lr, $3  }
0x3a: {  	_ = 	snop  }
0x3b: {  	_ = 	snop  }
0x3c: {  	p2 =	seq.s32 s10, $0x1;
	s10 =	sld [smem:$0x3FB1]  }
0x3d: {  	_ =	shalt  }
0x3e: {  	_ =	shalt  }
0x3f: {  	_ =	shalt  }
0x40: {  	_ =	shalt  }
0x41: {  	_ =	shalt  }
0x42: {  	_ =	shalt  }
0x43: {  	_ =	shalt  }
0x44: {  	_ =	shalt  }
0x45: {  	_ =	shalt  }
0x46: {  	_ =	shalt  }
0x47: {  	_ =	shalt  }
0x48: {  	_ =	shalt  }
0x49: {  	_ =	shalt  }
0x4a: {  	_ =	shalt  }
0x4b: {  	_ =	shalt  }
0x4c: {  	_ =	shalt  }
0x4d: {  	_ =	shalt  }
0x4e: {  	_ =	shalt  }
0x4f: {  	_ =	shalt  }
0x50: {  	_ =	shalt  }
0x51: {  	_ =	shalt  }
0x52: {  	_ =	shalt  }
0x53: {  	_ =	shalt  }
0x54: {  	_ =	shalt  }
0x55: {  	_ =	shalt  }
0x56: {  	_ =	shalt  }
0x57: {  	_ =	shalt  }
0x58: {  	_ =	shalt  }
0x59: {  	_ =	shalt  }
0x5a: {  	_ =	shalt  }
0x5b: {  	_ =	shalt  }
0x5c: {  	_ =	shalt  }
0x5d: {  	_ =	shalt  }
0x5e: {  	_ =	shalt  }
0x5f: {  	_ =	shalt  }
0x60: {  	_ =	shalt  }
0x61: {  	_ =	shalt  }
0x62: {  	_ =	shalt  }
0x63: {  	_ =	shalt  }
0x64: {  	_ =	shalt  }
0x65: {  	_ =	shalt  }
0x66: {  	_ =	shalt  }
0x67: {  	_ =	shalt  }
0x68: {  	_ =	shalt  }
0x69: {  	_ =	shalt  }
0x6a: {  	_ =	shalt  }
0x6b: {  	_ =	shalt  }
0x6c: {  	_ =	shalt  }
0x6d: {  	_ =	shalt  }
0x6e: {  	_ =	shalt  }
0x6f: {  	_ =	shalt  }
0x70: {  	_ =	shalt  }
0x71: {  	_ =	shalt  }
0x72: {  	_ =	shalt  }
0x73: {  	_ =	shalt  }
0x74: {  	_ =	shalt  }
0x75: {  	_ =	shalt  }
0x76: {  	_ =	shalt  }
0x77: {  	_ =	shalt  }
0x78: {  	_ =	shalt  }
0x79: {  	_ =	shalt  }
0x7a: {  	_ =	shalt  }
0x7b: {  	_ =	shalt  }
0x7c: {  	_ =	shalt  }
0x7d: {  	_ =	shalt  }
0x7e: {  	_ =	shalt  }
0x7f: {  	_ =	shalt  }
0x80: {  	_ =	shalt  }
0x81: {  	_ =	shalt  }
0x82: {  	_ =	shalt  }
0x83: {  	_ =	shalt  }
0x84: {  	_ =	shalt  }
0x85: {  	_ =	shalt  }
0x86: {  	_ =	shalt  }
0x87: {  	_ =	shalt  }
.Lfunc_end0:
.L_simem_size_0:
called_computation_lowered:
.L_overlay_start_0:
0x88: {  	s2 =	sld [smem:$0x3FD9]  }
0x89: {  	s3 =	sld [smem:$0x3FFE];
	_ =	sdelay $0x1  }
0x8a: {  	s1 =	srdreg.scid  }
0x8b: {  	s0 =	sand.u32 $0x1, s1  }
0x8c: {  	s17 =	sshll.u32 s0, $0xA;
	s2 =	sadd.s32 s3, s2  }
0x8d: {  	s2 =	sadd.s32 s2, s17  }
0x8e: {  	[smem:$0x3FBD] =	sst s2  }
0x8f: {  	_ = 	snop  }
0x90: {  	s2 =	sld [smem:$0x3FD0];
	(tm) =	ssettm $0x1  }
0x91: {  	s18 =	sld [smem:$0x3FFB];
	_ =	sdelay $0x3  }
0x92: {  	_ =	strace s18  }
0x93: {  	s3 =	sld [smem:$0x3FFC];
	_ =	sdelay $0x3  }
0x94: {  	_ =	strace s3  }
0x95: {  	s3 =	sld [smem:$0x3FFD];
	_ =	sdelay $0x3  }
0x96: {  	_ =	strace s3  }
0x97: {  	_ =	strace $0x8FFFFFFF  }
0x98: {  	s19 =	sld [smem:$0x3FDB];
	_ =	sdelay $0x1  }
0x99: {  	s4 =	simm.s32 $_scs_section_size  }
0x9a: {  	s5 =	simm.s32 $_size__tile_overlayer_lowered;
	s6 =	simm.s32 $_tile_overlayer_lowered  }
0x9b: {  	s22 =	simm.s32 $0x1BFF;
	s21 =	sshll.u32 s6, $0x1;
	s3 =	sadd.s32 s4, s19  }
0x9c: {  	s7 =	simm.s32 $0x0;
	s20 =	sshll.u32 s5, $0x1;
	s5 =	sadd.s32 s21, s3  }
0x9d: {  	[timem:s7], [sflag:s22] =	dma.local [hbm:s5], s20  }
0x9e: {  	_ =	swait.ge [sflag:s22], s20  }
0x9f: {  	s4 =	ssub.s32 $0x0, s20;
	[sflag:s22] =	ssyncset.done $0x0  }
0xa0: {  	[sflag:s22] =	ssyncadd.s32 s4;
	_ =	sdelay $0x1  }
0xa1: {  	s23 =	simm.s32 $0x1B8B  }
0xa2: {  	_ =	swait.ge [sflag:s23], $0x1  }
0xa3: {  	[sflag:s23] =	ssyncset.done $0x0  }
0xa4: {  	s25 =	simm.s32 $0x1B8E;
	s24 =	sld [smem:$0x3FFE];
	[sflag:s23] =	ssyncadd.s32 $0xFFFFFFFF  }
0xa5: {  	s26 =	simm.s32 $execute0_lowered;
	[smem:$0x3FD2] =	sst s25  }
0xa6: {  	s5 =	sshll.u32 s26, $0x1;
	_ =	strace $0x80000046;
	[dreg:$0x1] =	wrdreg $0xFFFFFFFF  }
0xa7: {  	s28 =	simm.s32 $_size_execute0_lowered;
	s3 =	sadd.s32 s3, s5;
	[dreg:$0x0] =	wrdreg $0x0  }
0xa8: {  	s5 =	sshll.u32 s28, $0x1;
	[dreg:$0x2] =	wrdreg s3  }
0xa9: {  	[dreg:$0x3] =	wrdreg s5  }
0xaa: {  	[dreg:$0x4] =	wrdreg $0xC0  }
0xab: {  	_ =	task [dreg:s7], $0x5FFFF  }
0xac: {  	[dreg:$0x1] =	wrdreg $0xFFFFFFFF  }
0xad: {  	[dreg:$0x0] =	wrdreg $0x60  }
0xae: {  	[dreg:$0x2] =	wrdreg s24  }
0xaf: {  	[dreg:$0x3] =	wrdreg s2  }
0xb0: {  	[dreg:$0x4] =	wrdreg $0x9  }
0xb1: {  	_ =	task.clear_ibuf [dreg:s7], $0x5FFFF;
	_ =	strace $0x90000046  }
0xb2: {  	s29 =	simm.s32 $0x9;
	_ =	strace $0x80000048  }
0xb3: {  	_ =	swait.ge [sflag:s29], $0x1  }
0xb4: {  	[sflag:s29] =	ssyncadd.s32 $0xFFFFFFFF  }
0xb5: {  	_ =	strace $0x90000048  }
0xb6: {  	_ =	sfence  }
0xb7: {  	s30 =	sld [smem:$0x0];
	_ =	sdelay $0x2  }
0xb8: {  	s31 =	sshll.u32 s1, $0xD;
	s1 =	sshrl.u32 s1, $0x2  }
0xb9: {  	s3 =	sand.u32 $0x4000, s31;
	s1 =	sadd.s32 s1, s30  }
0xba: {  	s0 =	sor.u32 s3, s0;
	s1 =	sshll.u32 s1, $0x11  }
0xbb: {  	s0 =	sor.u32 s1, s0  }
0xbc: {  	s0 =	sadd.s32 $0x8F2B, s0  }
0xbd: {  	[sflag:s0] =	ssyncadd.remote.s32 $0x1  }
0xbe: {  	_ =	sfence.sel $0xFFFF  }
0xbf: {  	[dreg:$0x0] =	wrdreg $0xFFFFFFFF;
	(pc) =	sbr.abs _section_cstart, $3  }
0xc0: {  	[dreg:$0x1] =	wrdreg $0xFFFFFFFF  }
0xc1: {  	_ =	task.clear_ibuf [dreg:s7], $0x2FFFF;
	_ =	strace $0x9FFFFFFF  }
0xc2: {  	(tm) =	ssettm $0x7FFFFFFF  }
0xc3: {  	_ =	shalt  }
tec
execute0_lowered:
.L_overlay_start_1:
0x0: {  	(tag) =	ssettag $0x1  }
0x1: {  	s0 =	srdreg.scid;
	s1 =	rddreg [dreg:$0x0]  }
0x2: {  	s8 =	stileid.u32;
	s4 =	rddreg [dreg:$0x1];
	s30 =	simm.s32 $0x1  }
0x3: {  	s31 =	simm.s32 $0x8800;
	s14 =	simm.s32 $0x2;
	s15 =	simm.s32 $0xA800  }
0x4: {  	s20 =	simm.s32 $0x3;
	s22 =	simm.s32 $0xC800;
	s9 =	simm.s32 $0xE800  }
0x5: {  	s10 =	simm.s32 $0xF000;
	s11 =	simm.s32 $0x10000;
	s13 =	simm.s32 $0x9  }
0x6: {  	s28 =	simm.s32 $0x6;
	s29 =	simm.s32 $0xA;
	s17 =	simm.s32 $0x7  }
0x7: {  	s12 =	simm.s32 $0xC;
	s19 =	simm.s32 $0x0;
	s0 =	sand.u32 $0x1, s0  }
0x8: {  	s2 =	sshll.u32 s8, $0xA;
	s5 =	sshll.u32 s8, $0x2;
	s26 =	sshll.u32 s8, $0x12  }
0x9: {  	s3 =	sshll.u32 s0, $0x9;
	s24 =	ssub.s32 $0x2, s0;
	s0 =	sshll.u32 s0, $0x11  }
0xa: {  	s3 =	sor.u32 s3, s2;
	s2 =	simm.s32 $0x0;
	s7 =	sshrl.u32 s24, $0x1  }
0xb: {  	s3 =	sor.u32 s5, s3;
	[smem:$0x7FF] =	sst s2;
	s5 =	ssub.s32 s24, s7  }
0xc: {  	s7 =	simm.s32 $0xF800;
	s3 =	sand.u32 $0xE30, s3;
	_ =	strace $0x80000047  }
0xd: {  	s5 =	smax.u32 s5, $0x1;
	s6 =	sadd.s32 s3, s1;
	s3 =	sadd.s32 $0x1E00, s1  }
.Ltmp0:
0xe: {  	[dreg:$0x5] =	wrdreg s5;
	s25 =	sadd.s32 $0x14A00, s6;
	(pc) =	sbr.rel .LBB2_1-.Ltmp0, $4  }
0xf: {  	s5 =	simm.s32 $0x4;
	s6 =	sadd.s32 $0x15A00, s6;
	[dreg:$0x3] =	wrdreg s25  }
0x10: {  	v0 =	vlaneseq.u32;
	[dreg:$0x4] =	wrdreg s6;
	s6 =	sadd.s32 $0x1F00, s1;
	s1 =	sadd.s32 s26, s4  }
0x11: {  	v1 =	vshrl.u32 v0, $0x3;
	s25 =	simm.s32 $0x6800;
	s4 =	simm.s32 $0xE000;
	s26 =	simm.s32 $0x5  }
0x12: {  	vm0 =	vmmov $0xffff;
	v0 =	vand.u32 $0x7, v0;
	v1 =	vmul.u32 $0x8, v1;
	s8 =	sadd.s32 s0, s1;
	s1 =	simm.s32 $0xB;
	s0 =	simm.s32 $0x8  }
.LBB2_4:
0x13: {  	s16 =	simm.s32 $0xD  }
0x14: {  	_ =	swait.ge [sflag:s16], $0x2000  }
0x15: {  	[sflag:s16] =	ssyncset.done $0x0  }
0x16: {  	s21 =	simm.s32 $0xE;
	[sflag:s16] =	ssyncadd.s32 $0xFFFFE000  }
0x17: {  	_ =	swait.ge [sflag:s21], $0x2000  }
0x18: {  	[sflag:s21] =	ssyncset.done $0x0  }
0x19: {  	s23 =	simm.s32 $0xF;
	[sflag:s21] =	ssyncadd.s32 $0xFFFFE000  }
0x1a: {  	_ =	swait.ge [sflag:s23], $0x2000  }
0x1b: {  	[sflag:s23] =	ssyncset.done $0x0  }
0x1c: {  	s18 =	simm.s32 $0x10;
	[sflag:s23] =	ssyncadd.s32 $0xFFFFE000  }
0x1d: {  	_ =	swait.ge [sflag:s18], $0x2000  }
0x1e: {  	s19 =	rddreg [dreg:$0x6]  }
0x1f: {  	s24 =	rddreg [dreg:$0x5];
	s19 =	sadd.s32 $0x1, s19  }
0x20: {  	p0 =	sne.s32 s19, s24  }
.Ltmp1:
0x21: {  	_ = 	snop;
	(pc) =	sbr.rel @!p0 .LBB2_5-.Ltmp1, $3  }
0x22: {  	_ =	sdelay $0x1  }
0x23: {  	[sflag:s18] =	ssyncset.done $0x0  }
0x24: {  	[sflag:s18] =	ssyncadd.s32 $0xFFFFE000  }
.LBB2_1:
0x25: {  	[dreg:$0x6] =	wrdreg s19  }
0x26: {  	s16 =	rddreg [dreg:$0x3]  }
0x27: {  	s18 =	simm.s32 $0x80;
	s19 =	simm.s32 $0x200;
	s21 =	simm.s32 $0x11  }
0x28: {  	[tilespmem:s2], [sflag:$0x11] =	stream.strided.gather [hbm4b:s16+s18], $0x400, s19, s18, $0x38;
	[tilespmem:$0x10800] =	vst v63  }
0x29: {  	_ =	swait.ge [sflag:s21], $0x400  }
0x2a: {  	[sflag:s21] =	ssyncset.done $0x0  }
0x2b: {  	s23 =	simm.s32 $0x400;
	s24 =	rddreg [dreg:$0x4];
	[sflag:s21] =	ssyncadd.s32 $0xFFFFFC00  }
0x2c: {  	[tilespmem:s23], [sflag:$0x11] =	stream.strided.gather [hbm4b:s24+s18], $0x400, s19, s18, $0x38;
	[tilespmem:$0x10800] =	vst v63  }
0x2d: {  	_ =	swait.ge [sflag:s21], $0x400  }
0x2e: {  	[sflag:s21] =	ssyncset.done $0x0  }
0x2f: {  	[sflag:s21] =	ssyncadd.s32 $0xFFFFFC00  }
0x30: {  	v2 =	vld.msk [tilespmem:$0x0], $0xff;
	_ =	sdelay $0x4  }
0x31: {  	v3 =	vshll.u32 v2, $0x2  }
0x32: {  	v2 =	vand.u32 $0x7, v2;
	v3 =	vand.u32 $0xFFFFFFE0, v3  }
0x33: {  	v2 =	vor.u32 v2, v3  }
0x34: {  	v2 =	vperm.xlane v2, v0;
	_ =	sdelay $0x1  }
0x35: {  	v2 =	vadd.s32 v1, v2;
	_ =	sdelay $0x3  }
0x36: {  	s18 =	simm.s32 $0x800  }
0x37: {  	[tilespmem:s18], [sflag:$0x1] =	stream.indirect_vreg.gather [hbm4b:s3+s2], $0x80, v2, vm0, $0xb8;
	[tilespmem:$0x10800] =	vst v63  }
0x38: {  	s19 =	simm.s32 $0x1000  }
0x39: {  	[tilespmem:s19], [sflag:$0x1] =	stream.indirect_vreg.gather [hbm4b:s6+s2], $0x80, v2, vm0, $0xb8;
	[tilespmem:$0x10800] =	vst v63  }
0x3a: {  	v2 =	vld.msk [tilespmem:$0x400], $0xff;
	_ =	sdelay $0x4  }
0x3b: {  	v3 =	vshll.u32 v2, $0x2  }
0x3c: {  	v2 =	vand.u32 $0x7, v2;
	v3 =	vand.u32 $0xFFFFFFE0, v3  }
0x3d: {  	v2 =	vor.u32 v2, v3  }
0x3e: {  	v2 =	vperm.xlane v2, v0;
	_ =	sdelay $0x1  }
0x3f: {  	v2 =	vadd.s32 v1, v2;
	_ =	sdelay $0x3  }
0x40: {  	s21 =	simm.s32 $0x1800  }
0x41: {  	[tilespmem:s21], [sflag:$0x1] =	stream.indirect_vreg.gather [hbm4b:s3+s2], $0x80, v2, vm0, $0xb8;
	[tilespmem:$0x10800] =	vst v63  }
0x42: {  	s23 =	simm.s32 $0x2000  }
0x43: {  	[tilespmem:s23], [sflag:$0x1] =	stream.indirect_vreg.gather [hbm4b:s6+s2], $0x80, v2, vm0, $0xb8;
	[tilespmem:$0x10800] =	vst v63  }
0x44: {  	v2 =	vld.msk [tilespmem:$0x8], $0xff;
	_ =	sdelay $0x4  }
0x45: {  	v3 =	vshll.u32 v2, $0x2  }
0x46: {  	v2 =	vand.u32 $0x7, v2;
	v3 =	vand.u32 $0xFFFFFFE0, v3  }
0x47: {  	v2 =	vor.u32 v2, v3  }
0x48: {  	v2 =	vperm.xlane v2, v0;
	_ =	sdelay $0x1  }
0x49: {  	v2 =	vadd.s32 v1, v2;
	_ =	sdelay $0x3  }
0x4a: {  	s24 =	simm.s32 $0x2800  }
0x4b: {  	[tilespmem:s24], [sflag:$0x2] =	stream.indirect_vreg.gather [hbm4b:s3+s2], $0x80, v2, vm0, $0xb8;
	[tilespmem:$0x10800] =	vst v63  }
0x4c: {  	s18 =	simm.s32 $0x3000  }
0x4d: {  	[tilespmem:s18], [sflag:$0x2] =	stream.indirect_vreg.gather [hbm4b:s6+s2], $0x80, v2, vm0, $0xb8;
	[tilespmem:$0x10800] =	vst v63  }
0x4e: {  	v2 =	vld.msk [tilespmem:$0x408], $0xff;
	_ =	sdelay $0x4  }
0x4f: {  	v3 =	vshll.u32 v2, $0x2  }
0x50: {  	v2 =	vand.u32 $0x7, v2;
	v3 =	vand.u32 $0xFFFFFFE0, v3  }
0x51: {  	v2 =	vor.u32 v2, v3  }
0x52: {  	v2 =	vperm.xlane v2, v0;
	_ =	sdelay $0x1  }
0x53: {  	v2 =	vadd.s32 v1, v2;
	_ =	sdelay $0x3  }
0x54: {  	s19 =	simm.s32 $0x3800  }
0x55: {  	[tilespmem:s19], [sflag:$0x2] =	stream.indirect_vreg.gather [hbm4b:s3+s2], $0x80, v2, vm0, $0xb8;
	[tilespmem:$0x10800] =	vst v63  }
0x56: {  	s21 =	simm.s32 $0x4000  }
0x57: {  	[tilespmem:s21], [sflag:$0x2] =	stream.indirect_vreg.gather [hbm4b:s6+s2], $0x80, v2, vm0, $0xb8;
	[tilespmem:$0x10800] =	vst v63  }
0x58: {  	v2 =	vld.msk [tilespmem:$0x10], $0xff;
	_ =	sdelay $0x4  }
0x59: {  	v3 =	vshll.u32 v2, $0x2  }
0x5a: {  	v2 =	vand.u32 $0x7, v2;
	v3 =	vand.u32 $0xFFFFFFE0, v3  }
0x5b: {  	v2 =	vor.u32 v2, v3  }
0x5c: {  	v2 =	vperm.xlane v2, v0;
	_ =	sdelay $0x1  }
0x5d: {  	v2 =	vadd.s32 v1, v2;
	_ =	sdelay $0x3  }
0x5e: {  	s23 =	simm.s32 $0x4800  }
0x5f: {  	[tilespmem:s23], [sflag:$0x3] =	stream.indirect_vreg.gather [hbm4b:s3+s2], $0x80, v2, vm0, $0xb8;
	[tilespmem:$0x10800] =	vst v63  }
0x60: {  	s24 =	simm.s32 $0x5000  }
0x61: {  	[tilespmem:s24], [sflag:$0x3] =	stream.indirect_vreg.gather [hbm4b:s6+s2], $0x80, v2, vm0, $0xb8;
	[tilespmem:$0x10800] =	vst v63  }
0x62: {  	v2 =	vld.msk [tilespmem:$0x410], $0xff;
	_ =	sdelay $0x4  }
0x63: {  	v3 =	vshll.u32 v2, $0x2  }
0x64: {  	v2 =	vand.u32 $0x7, v2;
	v3 =	vand.u32 $0xFFFFFFE0, v3  }
0x65: {  	v2 =	vor.u32 v2, v3  }
0x66: {  	v2 =	vperm.xlane v2, v0;
	_ =	sdelay $0x1  }
0x67: {  	v2 =	vadd.s32 v1, v2;
	_ =	sdelay $0x3  }
0x68: {  	s18 =	simm.s32 $0x5800  }
0x69: {  	[tilespmem:s18], [sflag:$0x3] =	stream.indirect_vreg.gather [hbm4b:s3+s2], $0x80, v2, vm0, $0xb8;
	[tilespmem:$0x10800] =	vst v63  }
0x6a: {  	s19 =	simm.s32 $0x6000  }
0x6b: {  	[tilespmem:s19], [sflag:$0x3] =	stream.indirect_vreg.gather [hbm4b:s6+s2], $0x80, v2, vm0, $0xb8;
	[tilespmem:$0x10800] =	vst v63  }
0x6c: {  	v2 =	vld.msk [tilespmem:$0x18], $0xff;
	_ =	sdelay $0x4  }
0x6d: {  	v3 =	vshll.u32 v2, $0x2  }
0x6e: {  	v2 =	vand.u32 $0x7, v2;
	v3 =	vand.u32 $0xFFFFFFE0, v3  }
0x6f: {  	v2 =	vor.u32 v2, v3  }
0x70: {  	v2 =	vperm.xlane v2, v0;
	_ =	sdelay $0x1  }
0x71: {  	v2 =	vadd.s32 v1, v2;
	_ =	sdelay $0x4  }
0x72: {  	[tilespmem:s25], [sflag:$0x4] =	stream.indirect_vreg.gather [hbm4b:s3+s2], $0x80, v2, vm0, $0xb8;
	[tilespmem:$0x10800] =	vst v63  }
0x73: {  	s21 =	simm.s32 $0x7000  }
0x74: {  	[tilespmem:s21], [sflag:$0x4] =	stream.indirect_vreg.gather [hbm4b:s6+s2], $0x80, v2, vm0, $0xb8;
	[tilespmem:$0x10800] =	vst v63  }
0x75: {  	v2 =	vld.msk [tilespmem:$0x418], $0xff;
	_ =	sdelay $0x4  }
0x76: {  	v3 =	vshll.u32 v2, $0x2  }
0x77: {  	v2 =	vand.u32 $0x7, v2;
	v3 =	vand.u32 $0xFFFFFFE0, v3  }
0x78: {  	v2 =	vor.u32 v2, v3  }
0x79: {  	v2 =	vperm.xlane v2, v0;
	_ =	sdelay $0x1  }
0x7a: {  	v2 =	vadd.s32 v1, v2;
	_ =	sdelay $0x3  }
0x7b: {  	s16 =	simm.s32 $0x430;
	s23 =	simm.s32 $0x7800  }
0x7c: {  	[tilespmem:s23], [sflag:$0x4] =	stream.indirect_vreg.gather [hbm4b:s3+s2], $0x80, v2, vm0, $0xb8;
	[tilespmem:$0x10800] =	vst v63  }
0x7d: {  	s24 =	simm.s32 $0x8000;
	s18 =	simm.s32 $0x0;
	s21 =	simm.s32 $0x30  }
0x7e: {  	[tilespmem:s24], [sflag:$0x4] =	stream.indirect_vreg.gather [hbm4b:s6+s2], $0x80, v2, vm0, $0xb8;
	[tilespmem:$0x10800] =	vst v63  }
.LBB2_2:
0x7f: {  	_ =	swait.ge [sflag:s30], $0x1000  }
0x80: {  	[sflag:s30] =	ssyncset.done $0x0  }
0x81: {  	[sflag:s30] =	ssyncadd.s32 $0xFFFFF000  }
0x82: {  	_ =	swait.ge [sflag:s30], $0x1000  }
0x83: {  	s19 =	sadd.s32 s18, s8;
	[sflag:s30] =	ssyncset.done $0x0  }
0x84: {  	s23 =	simm.s32 $0x800;
	p0 =	seq.s32 s18, $0x0;
	[sflag:s30] =	ssyncadd.s32 $0xFFFFF000  }
0x85: {  	[hbm4b:s19+s2] =	stream.linear.scatter [tilespmem:s23], [sflag:$0x9], $0x2000, $0x38;
	[tilespmem:$0x10800] =	vst v63  }
0x86: {  	s23 =	simm.s32 @!p0 $0xD  }
0x87: {  	_ =	swait.ge @!p0 [sflag:s23], $0x2000  }
0x88: {  	[sflag:s23] =	ssyncset.done @!p0 $0x0  }
0x89: {  	[sflag:s23] =	ssyncadd.s32 @!p0 $0xFFFFE000  }
0x8a: {  	v2 =	vld.msk [tilespmem:s21+$0xFFFFFFF0], $0xff;
	_ =	sdelay $0x4  }
0x8b: {  	v3 =	vshll.u32 v2, $0x2  }
0x8c: {  	v2 =	vand.u32 $0x7, v2;
	v3 =	vand.u32 $0xFFFFFFE0, v3  }
0x8d: {  	v2 =	vor.u32 v2, v3  }
0x8e: {  	v2 =	vperm.xlane v2, v0;
	_ =	sdelay $0x1  }
0x8f: {  	v2 =	vadd.s32 v1, v2;
	_ =	sdelay $0x4  }
0x90: {  	[tilespmem:s31], [sflag:$0x5] =	stream.indirect_vreg.gather [hbm4b:s3+s2], $0x80, v2, vm0, $0xb8;
	[tilespmem:$0x10800] =	vst v63  }
0x91: {  	s24 =	simm.s32 $0x9000  }
0x92: {  	[tilespmem:s24], [sflag:$0x5] =	stream.indirect_vreg.gather [hbm4b:s6+s2], $0x80, v2, vm0, $0xb8;
	[tilespmem:$0x10800] =	vst v63  }
0x93: {  	v2 =	vld.msk [tilespmem:s16+$0xFFFFFFF0], $0xff;
	_ =	sdelay $0x4  }
0x94: {  	v3 =	vshll.u32 v2, $0x2  }
0x95: {  	v2 =	vand.u32 $0x7, v2;
	v3 =	vand.u32 $0xFFFFFFE0, v3  }
0x96: {  	v2 =	vor.u32 v2, v3  }
0x97: {  	v2 =	vperm.xlane v2, v0;
	_ =	sdelay $0x1  }
0x98: {  	v2 =	vadd.s32 v1, v2;
	_ =	sdelay $0x3  }
0x99: {  	s24 =	simm.s32 $0x9800  }
0x9a: {  	[tilespmem:s24], [sflag:$0x5] =	stream.indirect_vreg.gather [hbm4b:s3+s2], $0x80, v2, vm0, $0xb8;
	[tilespmem:$0x10800] =	vst v63  }
0x9b: {  	s24 =	simm.s32 $0xA000  }
0x9c: {  	[tilespmem:s24], [sflag:$0x5] =	stream.indirect_vreg.gather [hbm4b:s6+s2], $0x80, v2, vm0, $0xb8;
	[tilespmem:$0x10800] =	vst v63  }
0x9d: {  	_ =	swait.ge [sflag:s14], $0x1000  }
0x9e: {  	[sflag:s14] =	ssyncset.done $0x0  }
0x9f: {  	[sflag:s14] =	ssyncadd.s32 $0xFFFFF000  }
0xa0: {  	_ =	swait.ge [sflag:s14], $0x1000  }
0xa1: {  	[sflag:s14] =	ssyncset.done $0x0  }
0xa2: {  	s23 =	sadd.s32 $0x400, s19;
	s24 =	simm.s32 $0x2800;
	[sflag:s14] =	ssyncadd.s32 $0xFFFFF000  }
0xa3: {  	[hbm4b:s23+s2] =	stream.linear.scatter [tilespmem:s24], [sflag:$0xA], $0x2000, $0x38;
	[tilespmem:$0x10800] =	vst v63  }
0xa4: {  	s23 =	simm.s32 @!p0 $0xE  }
0xa5: {  	_ =	swait.ge @!p0 [sflag:s23], $0x2000  }
0xa6: {  	[sflag:s23] =	ssyncset.done @!p0 $0x0  }
0xa7: {  	[sflag:s23] =	ssyncadd.s32 @!p0 $0xFFFFE000  }
0xa8: {  	v2 =	vld.msk [tilespmem:s21+$0xFFFFFFF8], $0xff;
	_ =	sdelay $0x4  }
0xa9: {  	v3 =	vshll.u32 v2, $0x2  }
0xaa: {  	v2 =	vand.u32 $0x7, v2;
	v3 =	vand.u32 $0xFFFFFFE0, v3  }
0xab: {  	v2 =	vor.u32 v2, v3  }
0xac: {  	v2 =	vperm.xlane v2, v0;
	_ =	sdelay $0x1  }
0xad: {  	v2 =	vadd.s32 v1, v2;
	_ =	sdelay $0x4  }
0xae: {  	[tilespmem:s15], [sflag:$0x6] =	stream.indirect_vreg.gather [hbm4b:s3+s2], $0x80, v2, vm0, $0xb8;
	[tilespmem:$0x10800] =	vst v63  }
0xaf: {  	s24 =	simm.s32 $0xB000  }
0xb0: {  	[tilespmem:s24], [sflag:$0x6] =	stream.indirect_vreg.gather [hbm4b:s6+s2], $0x80, v2, vm0, $0xb8;
	[tilespmem:$0x10800] =	vst v63  }
0xb1: {  	v2 =	vld.msk [tilespmem:s16+$0xFFFFFFF8], $0xff;
	_ =	sdelay $0x4  }
0xb2: {  	v3 =	vshll.u32 v2, $0x2  }
0xb3: {  	v2 =	vand.u32 $0x7, v2;
	v3 =	vand.u32 $0xFFFFFFE0, v3  }
0xb4: {  	v2 =	vor.u32 v2, v3  }
0xb5: {  	v2 =	vperm.xlane v2, v0;
	_ =	sdelay $0x1  }
0xb6: {  	v2 =	vadd.s32 v1, v2;
	_ =	sdelay $0x3  }
0xb7: {  	s24 =	simm.s32 $0xB800  }
0xb8: {  	[tilespmem:s24], [sflag:$0x6] =	stream.indirect_vreg.gather [hbm4b:s3+s2], $0x80, v2, vm0, $0xb8;
	[tilespmem:$0x10800] =	vst v63  }
0xb9: {  	s24 =	simm.s32 $0xC000  }
0xba: {  	[tilespmem:s24], [sflag:$0x6] =	stream.indirect_vreg.gather [hbm4b:s6+s2], $0x80, v2, vm0, $0xb8;
	[tilespmem:$0x10800] =	vst v63  }
0xbb: {  	_ =	swait.ge [sflag:s20], $0x1000  }
0xbc: {  	[sflag:s20] =	ssyncset.done $0x0  }
0xbd: {  	[sflag:s20] =	ssyncadd.s32 $0xFFFFF000  }
0xbe: {  	_ =	swait.ge [sflag:s20], $0x1000  }
0xbf: {  	[sflag:s20] =	ssyncset.done $0x0  }
0xc0: {  	s23 =	sadd.s32 $0x800, s19;
	s24 =	simm.s32 $0x4800;
	[sflag:s20] =	ssyncadd.s32 $0xFFFFF000  }
0xc1: {  	[hbm4b:s23+s2] =	stream.linear.scatter [tilespmem:s24], [sflag:$0xB], $0x2000, $0x38;
	[tilespmem:$0x10800] =	vst v63  }
0xc2: {  	s23 =	simm.s32 @!p0 $0xF  }
0xc3: {  	_ =	swait.ge @!p0 [sflag:s23], $0x2000  }
0xc4: {  	[sflag:s23] =	ssyncset.done @!p0 $0x0  }
0xc5: {  	[sflag:s23] =	ssyncadd.s32 @!p0 $0xFFFFE000  }
0xc6: {  	v2 =	vld.msk [tilespmem:s21+$0x0], $0xff;
	_ =	sdelay $0x4  }
0xc7: {  	v3 =	vshll.u32 v2, $0x2  }
0xc8: {  	v2 =	vand.u32 $0x7, v2;
	v3 =	vand.u32 $0xFFFFFFE0, v3  }
0xc9: {  	v2 =	vor.u32 v2, v3  }
0xca: {  	v2 =	vperm.xlane v2, v0;
	_ =	sdelay $0x1  }
0xcb: {  	v2 =	vadd.s32 v1, v2;
	_ =	sdelay $0x4  }
0xcc: {  	[tilespmem:s22], [sflag:$0x7] =	stream.indirect_vreg.gather [hbm4b:s3+s2], $0x80, v2, vm0, $0xb8;
	[tilespmem:$0x10800] =	vst v63  }
0xcd: {  	s24 =	simm.s32 $0xD000  }
0xce: {  	[tilespmem:s24], [sflag:$0x7] =	stream.indirect_vreg.gather [hbm4b:s6+s2], $0x80, v2, vm0, $0xb8;
	[tilespmem:$0x10800] =	vst v63  }
0xcf: {  	v2 =	vld.msk [tilespmem:s16+$0x0], $0xff;
	_ =	sdelay $0x4  }
0xd0: {  	v3 =	vshll.u32 v2, $0x2  }
0xd1: {  	v2 =	vand.u32 $0x7, v2;
	v3 =	vand.u32 $0xFFFFFFE0, v3  }
0xd2: {  	v2 =	vor.u32 v2, v3  }
0xd3: {  	v2 =	vperm.xlane v2, v0;
	_ =	sdelay $0x1  }
0xd4: {  	v2 =	vadd.s32 v1, v2;
	_ =	sdelay $0x3  }
0xd5: {  	s24 =	simm.s32 $0xD800  }
0xd6: {  	[tilespmem:s24], [sflag:$0x7] =	stream.indirect_vreg.gather [hbm4b:s3+s2], $0x80, v2, vm0, $0xb8;
	[tilespmem:$0x10800] =	vst v63  }
0xd7: {  	_ = 	snop  }
0xd8: {  	[tilespmem:s4], [sflag:$0x7] =	stream.indirect_vreg.gather [hbm4b:s6+s2], $0x80, v2, vm0, $0xb8;
	[tilespmem:$0x10800] =	vst v63  }
0xd9: {  	_ =	swait.ge [sflag:s5], $0x1000  }
0xda: {  	[sflag:s5] =	ssyncset.done $0x0  }
0xdb: {  	[sflag:s5] =	ssyncadd.s32 $0xFFFFF000  }
0xdc: {  	_ =	swait.ge [sflag:s5], $0x1000  }
0xdd: {  	[sflag:s5] =	ssyncset.done $0x0  }
0xde: {  	s23 =	simm.s32 @!p0 $0x10;
	s24 =	sadd.s32 $0xC00, s19;
	[sflag:s5] =	ssyncadd.s32 $0xFFFFF000  }
0xdf: {  	[hbm4b:s24+s2] =	stream.linear.scatter [tilespmem:s25], [sflag:$0xC], $0x2000, $0x38;
	[tilespmem:$0x10800] =	vst v63  }
0xe0: {  	_ =	swait.ge @!p0 [sflag:s23], $0x2000  }
0xe1: {  	[sflag:s23] =	ssyncset.done @!p0 $0x0  }
0xe2: {  	[sflag:s23] =	ssyncadd.s32 @!p0 $0xFFFFE000  }
0xe3: {  	v2 =	vld.msk [tilespmem:s21+$0x8], $0xff;
	_ =	sdelay $0x4  }
0xe4: {  	v3 =	vshll.u32 v2, $0x2  }
0xe5: {  	v2 =	vand.u32 $0x7, v2;
	v3 =	vand.u32 $0xFFFFFFE0, v3  }
0xe6: {  	v2 =	vor.u32 v2, v3  }
0xe7: {  	v2 =	vperm.xlane v2, v0;
	_ =	sdelay $0x1  }
0xe8: {  	v2 =	vadd.s32 v1, v2;
	_ =	sdelay $0x4  }
0xe9: {  	[tilespmem:s9], [sflag:$0x8] =	stream.indirect_vreg.gather [hbm4b:s3+s2], $0x80, v2, vm0, $0xb8;
	[tilespmem:$0x10800] =	vst v63  }
0xea: {  	_ = 	snop  }
0xeb: {  	[tilespmem:s10], [sflag:$0x8] =	stream.indirect_vreg.gather [hbm4b:s6+s2], $0x80, v2, vm0, $0xb8;
	[tilespmem:$0x10800] =	vst v63  }
0xec: {  	v2 =	vld.msk [tilespmem:s16+$0x8], $0xff;
	_ =	sdelay $0x4  }
0xed: {  	v3 =	vshll.u32 v2, $0x2  }
0xee: {  	v2 =	vand.u32 $0x7, v2;
	v3 =	vand.u32 $0xFFFFFFE0, v3  }
0xef: {  	v2 =	vor.u32 v2, v3  }
0xf0: {  	v2 =	vperm.xlane v2, v0;
	_ =	sdelay $0x1  }
0xf1: {  	v2 =	vadd.s32 v1, v2;
	_ =	sdelay $0x4  }
0xf2: {  	[tilespmem:s7], [sflag:$0x8] =	stream.indirect_vreg.gather [hbm4b:s3+s2], $0x80, v2, vm0, $0xb8;
	[tilespmem:$0x10800] =	vst v63  }
0xf3: {  	_ = 	snop  }
0xf4: {  	[tilespmem:s11], [sflag:$0x8] =	stream.indirect_vreg.gather [hbm4b:s6+s2], $0x80, v2, vm0, $0xb8;
	[tilespmem:$0x10800] =	vst v63  }
0xf5: {  	_ =	swait.ge [sflag:s26], $0x1000  }
0xf6: {  	[sflag:s26] =	ssyncset.done $0x0  }
0xf7: {  	[sflag:s26] =	ssyncadd.s32 $0xFFFFF000  }
0xf8: {  	_ =	swait.ge [sflag:s26], $0x1000  }
0xf9: {  	[sflag:s26] =	ssyncset.done $0x0  }
0xfa: {  	s24 =	sadd.s32 $0x1000, s19;
	[sflag:s26] =	ssyncadd.s32 $0xFFFFF000  }
0xfb: {  	[hbm4b:s24+s2] =	stream.linear.scatter [tilespmem:s31], [sflag:$0xD], $0x2000, $0x38;
	[tilespmem:$0x10800] =	vst v63  }
0xfc: {  	_ =	swait.ge [sflag:s13], $0x2000  }
0xfd: {  	[sflag:s13] =	ssyncset.done $0x0  }
0xfe: {  	p0 =	seq.s32 s18, $0x1E000;
	[sflag:s13] =	ssyncadd.s32 $0xFFFFE000  }
0xff: {  	v2 =	vld.msk @!p0 [tilespmem:s21+$0x10], $0xff;
	_ =	sdelay $0x4  }
0x100: {  	v3 =	vshll.u32 @!p0 v2, $0x2  }
0x101: {  	v4 =	vlaneseq.u32 @!p0;
	v2 =	vand.u32 @!p0 $0x7, v2;
	v3 =	vand.u32 @!p0 $0xFFFFFFE0, v3  }
0x102: {  	v2 =	vor.u32 @!p0 v2, v3;
	v3 =	vand.u32 @!p0 $0x7, v4;
	v4 =	vshrl.u32 @!p0 v4, $0x3  }
0x103: {  	v2 =	vperm.xlane @!p0 v2, v3;
	v4 =	vmul.u32 @!p0 $0x8, v4;
	_ =	sdelay $0x1  }
0x104: {  	v2 =	vadd.s32 @!p0 v4, v2;
	_ =	sdelay $0x3  }
0x105: {  	vm1 =	vmmov @!p0 $0xffff;
	s23 =	simm.s32 @!p0 $0x0;
	s24 =	simm.s32 @!p0 $0x800  }
0x106: {  	[tilespmem:s24], [sflag:$0x1] =	stream.indirect_vreg.gather @!p0 [hbm4b:s3+s23], $0x80, v2, vm1, $0xb8;
	[tilespmem:$0x10800] =	vst v63  }
0x107: {  	s24 =	simm.s32 @!p0 $0x1000  }
0x108: {  	[tilespmem:s24], [sflag:$0x1] =	stream.indirect_vreg.gather @!p0 [hbm4b:s6+s23], $0x80, v2, vm1, $0xb8;
	[tilespmem:$0x10800] =	vst v63  }
0x109: {  	v2 =	vld.msk @!p0 [tilespmem:s16+$0x10], $0xff;
	_ =	sdelay $0x4  }
0x10a: {  	v5 =	vshll.u32 @!p0 v2, $0x2  }
0x10b: {  	v2 =	vand.u32 @!p0 $0x7, v2;
	v5 =	vand.u32 @!p0 $0xFFFFFFE0, v5  }
0x10c: {  	v2 =	vor.u32 @!p0 v2, v5  }
0x10d: {  	v2 =	vperm.xlane @!p0 v2, v3;
	_ =	sdelay $0x1  }
0x10e: {  	v2 =	vadd.s32 @!p0 v4, v2;
	_ =	sdelay $0x3  }
0x10f: {  	s24 =	simm.s32 @!p0 $0x1800  }
0x110: {  	[tilespmem:s24], [sflag:$0x1] =	stream.indirect_vreg.gather @!p0 [hbm4b:s3+s23], $0x80, v2, vm1, $0xb8;
	[tilespmem:$0x10800] =	vst v63  }
0x111: {  	s24 =	simm.s32 @!p0 $0x2000  }
0x112: {  	[tilespmem:s24], [sflag:$0x1] =	stream.indirect_vreg.gather @!p0 [hbm4b:s6+s23], $0x80, v2, vm1, $0xb8;
	[tilespmem:$0x10800] =	vst v63  }
0x113: {  	_ =	swait.ge [sflag:s28], $0x1000  }
0x114: {  	[sflag:s28] =	ssyncset.done $0x0  }
0x115: {  	[sflag:s28] =	ssyncadd.s32 $0xFFFFF000  }
0x116: {  	_ =	swait.ge [sflag:s28], $0x1000  }
0x117: {  	[sflag:s28] =	ssyncset.done $0x0  }
0x118: {  	s24 =	sadd.s32 $0x1400, s19;
	[sflag:s28] =	ssyncadd.s32 $0xFFFFF000  }
0x119: {  	[hbm4b:s24+s2] =	stream.linear.scatter [tilespmem:s15], [sflag:$0xE], $0x2000, $0x38;
	[tilespmem:$0x10800] =	vst v63  }
0x11a: {  	_ =	swait.ge [sflag:s29], $0x2000  }
0x11b: {  	[sflag:s29] =	ssyncset.done $0x0  }
0x11c: {  	[sflag:s29] =	ssyncadd.s32 $0xFFFFE000  }
0x11d: {  	v2 =	vld.msk @!p0 [tilespmem:s21+$0x18], $0xff;
	_ =	sdelay $0x4  }
0x11e: {  	v5 =	vshll.u32 @!p0 v2, $0x2  }
0x11f: {  	v2 =	vand.u32 @!p0 $0x7, v2;
	v5 =	vand.u32 @!p0 $0xFFFFFFE0, v5  }
0x120: {  	v2 =	vor.u32 @!p0 v2, v5  }
0x121: {  	v2 =	vperm.xlane @!p0 v2, v3;
	_ =	sdelay $0x1  }
0x122: {  	v2 =	vadd.s32 @!p0 v4, v2;
	_ =	sdelay $0x3  }
0x123: {  	s24 =	simm.s32 @!p0 $0x2800  }
0x124: {  	[tilespmem:s24], [sflag:$0x2] =	stream.indirect_vreg.gather @!p0 [hbm4b:s3+s23], $0x80, v2, vm1, $0xb8;
	[tilespmem:$0x10800] =	vst v63  }
0x125: {  	s24 =	simm.s32 @!p0 $0x3000  }
0x126: {  	[tilespmem:s24], [sflag:$0x2] =	stream.indirect_vreg.gather @!p0 [hbm4b:s6+s23], $0x80, v2, vm1, $0xb8;
	[tilespmem:$0x10800] =	vst v63  }
0x127: {  	v2 =	vld.msk @!p0 [tilespmem:s16+$0x18], $0xff;
	_ =	sdelay $0x4  }
0x128: {  	v5 =	vshll.u32 @!p0 v2, $0x2  }
0x129: {  	v2 =	vand.u32 @!p0 $0x7, v2;
	v5 =	vand.u32 @!p0 $0xFFFFFFE0, v5  }
0x12a: {  	v2 =	vor.u32 @!p0 v2, v5  }
0x12b: {  	v2 =	vperm.xlane @!p0 v2, v3;
	_ =	sdelay $0x1  }
0x12c: {  	v2 =	vadd.s32 @!p0 v4, v2;
	_ =	sdelay $0x3  }
0x12d: {  	s24 =	simm.s32 @!p0 $0x3800  }
0x12e: {  	[tilespmem:s24], [sflag:$0x2] =	stream.indirect_vreg.gather @!p0 [hbm4b:s3+s23], $0x80, v2, vm1, $0xb8;
	[tilespmem:$0x10800] =	vst v63  }
0x12f: {  	s24 =	simm.s32 @!p0 $0x4000  }
0x130: {  	[tilespmem:s24], [sflag:$0x2] =	stream.indirect_vreg.gather @!p0 [hbm4b:s6+s23], $0x80, v2, vm1, $0xb8;
	[tilespmem:$0x10800] =	vst v63  }
0x131: {  	_ =	swait.ge [sflag:s17], $0x1000  }
0x132: {  	[sflag:s17] =	ssyncset.done $0x0  }
0x133: {  	[sflag:s17] =	ssyncadd.s32 $0xFFFFF000  }
0x134: {  	_ =	swait.ge [sflag:s17], $0x1000  }
0x135: {  	[sflag:s17] =	ssyncset.done $0x0  }
0x136: {  	s24 =	sadd.s32 $0x1800, s19;
	[sflag:s17] =	ssyncadd.s32 $0xFFFFF000  }
0x137: {  	[hbm4b:s24+s2] =	stream.linear.scatter [tilespmem:s22], [sflag:$0xF], $0x2000, $0x38;
	[tilespmem:$0x10800] =	vst v63  }
0x138: {  	_ =	swait.ge [sflag:s1], $0x2000  }
0x139: {  	[sflag:s1] =	ssyncset.done $0x0  }
0x13a: {  	[sflag:s1] =	ssyncadd.s32 $0xFFFFE000  }
0x13b: {  	v2 =	vld.msk @!p0 [tilespmem:s21+$0x20], $0xff;
	_ =	sdelay $0x4  }
0x13c: {  	v5 =	vshll.u32 @!p0 v2, $0x2  }
0x13d: {  	v2 =	vand.u32 @!p0 $0x7, v2;
	v5 =	vand.u32 @!p0 $0xFFFFFFE0, v5  }
0x13e: {  	v2 =	vor.u32 @!p0 v2, v5  }
0x13f: {  	v2 =	vperm.xlane @!p0 v2, v3;
	_ =	sdelay $0x1  }
0x140: {  	v2 =	vadd.s32 @!p0 v4, v2;
	_ =	sdelay $0x3  }
0x141: {  	s24 =	simm.s32 @!p0 $0x4800  }
0x142: {  	[tilespmem:s24], [sflag:$0x3] =	stream.indirect_vreg.gather @!p0 [hbm4b:s3+s23], $0x80, v2, vm1, $0xb8;
	[tilespmem:$0x10800] =	vst v63  }
0x143: {  	s24 =	simm.s32 @!p0 $0x5000  }
0x144: {  	[tilespmem:s24], [sflag:$0x3] =	stream.indirect_vreg.gather @!p0 [hbm4b:s6+s23], $0x80, v2, vm1, $0xb8;
	[tilespmem:$0x10800] =	vst v63  }
0x145: {  	v2 =	vld.msk @!p0 [tilespmem:s16+$0x20], $0xff;
	_ =	sdelay $0x4  }
0x146: {  	v5 =	vshll.u32 @!p0 v2, $0x2  }
0x147: {  	v2 =	vand.u32 @!p0 $0x7, v2;
	v5 =	vand.u32 @!p0 $0xFFFFFFE0, v5  }
0x148: {  	v2 =	vor.u32 @!p0 v2, v5  }
0x149: {  	v2 =	vperm.xlane @!p0 v2, v3;
	_ =	sdelay $0x1  }
0x14a: {  	v2 =	vadd.s32 @!p0 v4, v2;
	_ =	sdelay $0x3  }
0x14b: {  	s24 =	simm.s32 @!p0 $0x5800  }
0x14c: {  	[tilespmem:s24], [sflag:$0x3] =	stream.indirect_vreg.gather @!p0 [hbm4b:s3+s23], $0x80, v2, vm1, $0xb8;
	[tilespmem:$0x10800] =	vst v63  }
0x14d: {  	s24 =	simm.s32 @!p0 $0x6000  }
0x14e: {  	[tilespmem:s24], [sflag:$0x3] =	stream.indirect_vreg.gather @!p0 [hbm4b:s6+s23], $0x80, v2, vm1, $0xb8;
	[tilespmem:$0x10800] =	vst v63  }
0x14f: {  	_ =	swait.ge [sflag:s0], $0x1000  }
0x150: {  	[sflag:s0] =	ssyncset.done $0x0  }
0x151: {  	[sflag:s0] =	ssyncadd.s32 $0xFFFFF000  }
0x152: {  	_ =	swait.ge [sflag:s0], $0x1000  }
0x153: {  	[sflag:s0] =	ssyncset.done $0x0  }
.Ltmp2:
0x154: {  	s19 =	sadd.s32 $0x1C00, s19;
	[sflag:s0] =	ssyncadd.s32 $0xFFFFF000;
	(pc) =	sbr.rel @p0 .LBB2_4-.Ltmp2, $4  }
0x155: {  	[hbm4b:s19+s2] =	stream.linear.scatter [tilespmem:s9], [sflag:$0x10], $0x2000, $0x38;
	[tilespmem:$0x10800] =	vst v63  }
0x156: {  	_ =	swait.ge [sflag:s12], $0x2000  }
0x157: {  	[sflag:s12] =	ssyncset.done $0x0  }
0x158: {  	[sflag:s12] =	ssyncadd.s32 $0xFFFFE000  }
0x159: {  	v2 =	vld.msk [tilespmem:s21+$0x28], $0xff;
	_ =	sdelay $0x4  }
0x15a: {  	v3 =	vshll.u32 v2, $0x2  }
0x15b: {  	v2 =	vand.u32 $0x7, v2;
	v3 =	vand.u32 $0xFFFFFFE0, v3  }
0x15c: {  	v2 =	vor.u32 v2, v3  }
0x15d: {  	v2 =	vperm.xlane v2, v0;
	_ =	sdelay $0x1  }
0x15e: {  	v2 =	vadd.s32 v1, v2;
	_ =	sdelay $0x4  }
0x15f: {  	[tilespmem:s25], [sflag:$0x4] =	stream.indirect_vreg.gather [hbm4b:s3+s2], $0x80, v2, vm0, $0xb8;
	[tilespmem:$0x10800] =	vst v63  }
0x160: {  	s19 =	simm.s32 $0x7000  }
0x161: {  	[tilespmem:s19], [sflag:$0x4] =	stream.indirect_vreg.gather [hbm4b:s6+s2], $0x80, v2, vm0, $0xb8;
	[tilespmem:$0x10800] =	vst v63  }
0x162: {  	v2 =	vld.msk [tilespmem:s16+$0x28], $0xff;
	_ =	sdelay $0x4  }
0x163: {  	v3 =	vshll.u32 v2, $0x2  }
0x164: {  	v2 =	vand.u32 $0x7, v2;
	v3 =	vand.u32 $0xFFFFFFE0, v3  }
0x165: {  	v2 =	vor.u32 v2, v3  }
0x166: {  	v2 =	vperm.xlane v2, v0;
	_ =	sdelay $0x1  }
0x167: {  	v2 =	vadd.s32 v1, v2;
	_ =	sdelay $0x2  }
.Ltmp3:
0x168: {  	_ = 	snop;
	(pc) =	sbr.rel .LBB2_2-.Ltmp3, $4  }
0x169: {  	s23 =	simm.s32 $0x7800;
	s24 =	simm.s32 $0x8000  }
0x16a: {  	[tilespmem:s23], [sflag:$0x4] =	stream.indirect_vreg.gather [hbm4b:s3+s2], $0x80, v2, vm0, $0xb8;
	[tilespmem:$0x10800] =	vst v63  }
0x16b: {  	s18 =	sadd.s32 $0x2000, s18;
	s21 =	sadd.s32 $0x40, s21;
	s16 =	sadd.s32 $0x40, s16  }
0x16c: {  	[tilespmem:s24], [sflag:$0x4] =	stream.indirect_vreg.gather [hbm4b:s6+s2], $0x80, v2, vm0, $0xb8;
	[tilespmem:$0x10800] =	vst v63  }
.LBB2_5:
0x16d: {  	_ =	sfence.sel $0x180000  }
0x16e: {  	[bflag:$0x0] =	sbarrier.arrive $0xFFFF  }
0x16f: {  	_ =	strace $0x90000047  }
0x170: {  	s0 =	stileid.u32;
	[bflag:$0x2] =	sbarrier.arrive $0xFFFF  }
0x171: {  	p0 =	sne.s32 s0, $0x0;
	s0 =	rddreg [dreg:$0x2]  }
0x172: {  	s0 =	sadd.s32 @!p0 $0x100000, s0  }
0x173: {  	[sflag:s0] =	ssyncadd.tile.s32 @!p0 $0x1;
	_ =	shalt  }
.Lfunc_end2:
_tile_overlayer_lowered:
.L_overlay_start_2:
0x174: {  	(tag) =	ssettag $0x2  }
0x175: {  	s0 =	rddreg [dreg:$0x0];
	s2 =	stileid.u32  }
0x176: {  	s1 =	rddreg [dreg:$0x1];
	p0 =	sne.s32 s2, $0x0  }
0x177: {  	s3 =	rddreg [dreg:$0x2];
	[bflag:$0x3] =	sbarrier.arrive $0xFFFF;
	s2 =	simm.s32 @!p0 $0x1C11  }
0x178: {  	[timem:s3], [sflag:s2] =	dma.local @!p0 [hbm:s0], s1  }
0x179: {  	s0 =	simm.s32 @!p0 $0x11  }
0x17a: {  	_ =	swait.ge @!p0 [sflag:s0], s1  }
0x17b: {  	s1 =	ssub.s32 @!p0 $0x0, s1;
	[sflag:s0] =	ssyncset.done @!p0 $0x0  }
0x17c: {  	[sflag:s0] =	ssyncadd.s32 @!p0 s1  }
0x17d: {  	[bflag:$0x3] =	sbarrier.arrive $0xFFFF  }
0x17e: {  	_ =	shalt  }

</sc_bundles>
